<compile_context>
chip_gen: v7x
topology: tpu7x:2x2x1
jax: 0.10.2.dev20260603
libtpu: 0.0.44.dev20260713+nightly
codegen_flags: <defaults>
</compile_context>

<pallas_src>
import jax
import jax.numpy as jnp
from jax import lax
from jax.experimental import pallas as pl
from jax.experimental.pallas import tpu as pltpu, tpu_sc as plsc

N = 10000
E = 320000
D_IN = 128
D_H = 256
D_OUT = 128
BN_EPS = 1e-5

NC = 2
NS = 16
NW = NC * NS
EW = E // NW
CH = 80
NCH = 125
EWP = NCH * CH
NPAD = 10240
RPS = NPAD // NS




def _deg_body(dst_hbm, ones_hbm, zero_hbm, out_hbm, acc,
              dst0, ss0, dst1, ss1, dst2, ss2, dst3, ss3, ones_v):
  c = lax.axis_index("c")
  s = lax.axis_index("s")
  wid = s * NC + c
  base = wid * EWP
  pltpu.sync_copy(ones_hbm, ones_v)
  pltpu.sync_copy(zero_hbm, acc.at[pl.ds(s * RPS, RPS)])
  plsc.subcore_barrier()

  B = ((dst0, ss0), (dst1, ss1), (dst2, ss2), (dst3, ss3))

  def stage(ci, b):
    dbuf, _ = B[b]
    pltpu.sync_copy(dst_hbm.at[pl.ds(pl.multiple_of(base + ci * CH, 8), CH)],
                    dbuf)

  def fire_scat(b):
    dbuf, ssem = B[b]
    pltpu.async_copy(ones_v, acc.at[dbuf], ssem, add=True)

  def wait_scat(b):
    dbuf, ssem = B[b]
    pltpu.make_async_copy(ones_v, acc.at[dbuf], ssem).wait()

  stage(0, 0)
  stage(1, 1)
  fire_scat(0)
  stage(2, 2)
  fire_scat(1)
  stage(3, 3)

  def step(k, carry):
    c0 = 4 * k + 2
    for j in range(4):
      ci = c0 + j
      b = (2 + j) % 4
      b2 = j
      fire_scat(b)
      wait_scat(b2)

      @pl.when(ci + 2 < NCH)
      def _():
        stage(ci + 2, b2)
    return carry

  nk = (NCH - 2) // 4
  lax.fori_loop(0, nk, step, 0)
  for ci in range(4 * nk + 2, NCH):
    fire_scat(ci % 4)
    wait_scat((ci + 2) % 4)
    if ci + 2 < NCH:
      stage(ci + 2, (ci + 2) % 4)
  wait_scat((NCH - 2) % 4)
  wait_scat((NCH - 1) % 4)
  plsc.subcore_barrier()
  pltpu.sync_copy(acc.at[pl.ds(s * RPS, RPS)],
                  out_hbm.at[c, pl.ds(s * RPS, RPS)])


def _agg_body(xs_hbm, src_hbm, dst_hbm, zero_hbm, out_hbm, acc,
              src0, dst0, rows0, gs0, ss0,
              src1, dst1, rows1, gs1, ss1,
              src2, dst2, rows2, gs2, ss2):
  c = lax.axis_index("c")
  s = lax.axis_index("s")
  wid = s * NC + c
  base = wid * EWP
  pltpu.sync_copy(zero_hbm, acc.at[pl.ds(s * RPS, RPS)])
  plsc.subcore_barrier()

  B = ((src0, dst0, rows0, gs0, ss0),
       (src1, dst1, rows1, gs1, ss1),
       (src2, dst2, rows2, gs2, ss2))

  def stage(ci, b):
    sbuf, dbuf, rbuf, gsem, _ = B[b]
    off = pl.multiple_of(base + ci * CH, 8)
    pltpu.sync_copy(src_hbm.at[pl.ds(off, CH)], sbuf)
    pltpu.sync_copy(dst_hbm.at[pl.ds(off, CH)], dbuf)
    pltpu.async_copy(xs_hbm.at[sbuf], rbuf, gsem)

  def fire_scat(b):
    sbuf, dbuf, rbuf, gsem, ssem = B[b]
    pltpu.make_async_copy(xs_hbm.at[sbuf], rbuf, gsem).wait()
    pltpu.async_copy(rbuf, acc.at[dbuf], ssem, add=True)

  def wait_scat(b):
    sbuf, dbuf, rbuf, _, ssem = B[b]
    pltpu.make_async_copy(rbuf, acc.at[dbuf], ssem).wait()

  stage(0, 0)
  stage(1, 1)
  fire_scat(0)
  stage(2, 2)

  def step(k, carry):
    c0 = 3 * k + 1
    for j, (b, b2) in enumerate(((1, 0), (2, 1), (0, 2))):
      ci = c0 + j
      fire_scat(b)
      wait_scat(b2)

      @pl.when(ci + 2 < NCH)
      def _():
        stage(ci + 2, b2)
    return carry

  lax.fori_loop(0, (NCH - 1) // 3, step, 0)
  k3 = 3 * ((NCH - 1) // 3)
  for ci in range(k3 + 1, NCH):
    fire_scat(ci % 3)
  for cj in range(k3, NCH):
    wait_scat(cj % 3)
  plsc.subcore_barrier()
  pltpu.sync_copy(acc.at[pl.ds(s * RPS, RPS)],
                  out_hbm.at[c, pl.ds(s * RPS, RPS)])


_sc_kernels_cache = {}


def _sc_kernels():
  if "k" not in _sc_kernels_cache:
    mesh = plsc.VectorSubcoreMesh(core_axis_name="c", subcore_axis_name="s",
                                  num_cores=NC, num_subcores=NS)
    deg = pl.kernel(
        _deg_body,
        out_type=jax.ShapeDtypeStruct((NC, NPAD, 128), jnp.float32),
        mesh=mesh,
        scratch_types=[
            pltpu.VMEM_SHARED((NPAD, 128), jnp.float32),
            pltpu.VMEM((CH,), jnp.int32),
            pltpu.SemaphoreType.DMA,
            pltpu.VMEM((CH,), jnp.int32),
            pltpu.SemaphoreType.DMA,
            pltpu.VMEM((CH,), jnp.int32),
            pltpu.SemaphoreType.DMA,
            pltpu.VMEM((CH,), jnp.int32),
            pltpu.SemaphoreType.DMA,
            pltpu.VMEM((CH, 128), jnp.float32),
        ],
    )
    agg = pl.kernel(
        _agg_body,
        out_type=jax.ShapeDtypeStruct((NC, NPAD, D_IN), jnp.float32),
        mesh=mesh,
        scratch_types=[
            pltpu.VMEM_SHARED((NPAD, D_IN), jnp.float32),
            pltpu.VMEM((CH,), jnp.int32),
            pltpu.VMEM((CH,), jnp.int32),
            pltpu.VMEM((CH, D_IN), jnp.float32),
            pltpu.SemaphoreType.DMA,
            pltpu.SemaphoreType.DMA,
            pltpu.VMEM((CH,), jnp.int32),
            pltpu.VMEM((CH,), jnp.int32),
            pltpu.VMEM((CH, D_IN), jnp.float32),
            pltpu.SemaphoreType.DMA,
            pltpu.SemaphoreType.DMA,
            pltpu.VMEM((CH,), jnp.int32),
            pltpu.VMEM((CH,), jnp.int32),
            pltpu.VMEM((CH, D_IN), jnp.float32),
            pltpu.SemaphoreType.DMA,
            pltpu.SemaphoreType.DMA,
        ],
    )
    _sc_kernels_cache["k"] = (deg, agg)
  return _sc_kernels_cache["k"]



def _tc1_body(degp_ref, x_ref, dis_ref, xs1_ref):
  deg = degp_ref[0, 0:N, 0:1] + degp_ref[1, 0:N, 0:1] + 1.0
  dis = lax.rsqrt(deg)
  dis_ref[...] = dis
  xs1_ref[...] = x_ref[...] * dis


def _tc2_body(p_ref, xs1_ref, dis_ref, w0t_ref, b0_ref, g0_ref, be0_ref,
              w1t_ref, xs2_ref):
  dis = dis_ref[...]
  z1 = dis * (p_ref[0, 0:N, :] + p_ref[1, 0:N, :] + xs1_ref[...])
  h1 = jnp.dot(z1, w0t_ref[...],
               preferred_element_type=jnp.float32) + b0_ref[...]
  mean = jnp.mean(h1, axis=0, keepdims=True)
  var = jnp.mean((h1 - mean) ** 2, axis=0, keepdims=True)
  h = (h1 - mean) * lax.rsqrt(var + BN_EPS) * g0_ref[...] + be0_ref[...]
  h = jnp.maximum(h, 0.0)
  h2 = jnp.dot(h, w1t_ref[...], preferred_element_type=jnp.float32)
  xs2_ref[...] = h2 * dis


def _tc3_body(q_ref, xs2_ref, dis_ref, b1_ref, out_ref):
  out_ref[...] = dis_ref[...] * (q_ref[0, 0:N, :] + q_ref[1, 0:N, :]
                                 + xs2_ref[...]) + b1_ref[...]


def _tc1(degp, x):
  return pl.pallas_call(
      _tc1_body,
      out_shape=[jax.ShapeDtypeStruct((N, 1), jnp.float32),
                 jax.ShapeDtypeStruct((N, D_IN), jnp.float32)],
  )(degp, x)


def _tc2(p, xs1, dis, w0t, b0, g0, be0, w1t):
  return pl.pallas_call(
      _tc2_body,
      out_shape=jax.ShapeDtypeStruct((N, D_OUT), jnp.float32),
  )(p, xs1, dis, w0t, b0, g0, be0, w1t)


def _tc3(q, xs2, dis, b1):
  return pl.pallas_call(
      _tc3_body,
      out_shape=jax.ShapeDtypeStruct((N, D_OUT), jnp.float32),
  )(q, xs2, dis, b1)



def kernel(x, edge_index, W0, b0, gamma0, beta0, W1, b1):
  _deg, _agg = _sc_kernels()
  src = edge_index[0].astype(jnp.int32)
  dst = edge_index[1].astype(jnp.int32)
  zeros_feat = jnp.zeros((RPS, D_IN), jnp.float32)
  ones_feat = jnp.ones((CH, 128), jnp.float32)

  degp = _deg(dst, ones_feat, zeros_feat)
  dis, xs1 = _tc1(degp, x)
  p = _agg(xs1, src, dst, zeros_feat)
  xs2 = _tc2(p, xs1, dis, W0.T, b0[None], gamma0[None], beta0[None], W1.T)
  q = _agg(xs2, src, dst, zeros_feat)
  return _tc3(q, xs2, dis, b1[None])

# --- scband reference (transcript-rebuilt; emitter-appended) ---
"""Pipeline reference for scband-federated-gnnmodel-9783935500608 (READ-ONLY COPY).

The authoritative reference and input builder live on the scoring server;
editing this copy changes nothing except your own understanding.
"""

import jax, jax.numpy as jnp
import numpy as np

N = 10000
E = 320000
D_IN = 128
D_H = 256
D_OUT = 128
BN_EPS = 1e-5


def setup_inputs(seed: int = 0) -> dict:
    key = jax.random.key(seed)
    ks = jax.random.split(key, 8)
    x = jax.random.normal(ks[0], (N, D_IN), dtype=jnp.float32)
    edge_index = jax.random.randint(ks[1], (2, E), 0, N)
    W0 = jax.random.normal(ks[2], (D_H, D_IN), dtype=jnp.float32) * 0.05
    b0 = jnp.zeros((D_H,), dtype=jnp.float32)
    gamma0 = jnp.ones((D_H,), dtype=jnp.float32)
    beta0 = jnp.zeros((D_H,), dtype=jnp.float32)
    W1 = jax.random.normal(ks[3], (D_OUT, D_H), dtype=jnp.float32) * 0.05
    b1 = jnp.zeros((D_OUT,), dtype=jnp.float32)
    return {"x": x, "edge_index": edge_index, "W0": W0, "b0": b0,
            "gamma0": gamma0, "beta0": beta0, "W1": W1, "b1": b1}


def _gcn_conv(x, edge_index, W, b):
    # Faithful to PyG GCNConv: add self-loops, symmetric normalization,
    # linear transform, scatter-add aggregation, bias.
    n = x.shape[0]
    loop = jnp.arange(n, dtype=edge_index.dtype)
    src = jnp.concatenate([edge_index[0], loop])
    dst = jnp.concatenate([edge_index[1], loop])
    deg = jnp.zeros((n,), dtype=x.dtype).at[dst].add(1.0)
    deg_inv_sqrt = jnp.where(deg > 0, jax.lax.rsqrt(jnp.maximum(deg, 1e-12)), 0.0)
    norm = deg_inv_sqrt[src] * deg_inv_sqrt[dst]
    h = x @ W.T
    msg = h[src] * norm[:, None]
    out = jnp.zeros((n, h.shape[1]), dtype=x.dtype).at[dst].add(msg)
    return out + b


def _batch_norm(h, gamma, beta):
    # Training-mode BatchNorm1d using batch statistics (biased variance).
    mean = jnp.mean(h, axis=0)
    var = jnp.mean((h - mean) ** 2, axis=0)
    return (h - mean) * jax.lax.rsqrt(var + BN_EPS) * gamma + beta


def reference(x, edge_index, W0, b0, gamma0, beta0, W1, b1):
    h = _gcn_conv(x, edge_index, W0, b0)
    h = _batch_norm(h, gamma0, beta0)
    h = jax.nn.relu(h)
    # dropout treated as identity (deterministic reference / eval-style)
    out = _gcn_conv(h, edge_index, W1, b1)
    return out

if __name__ == "__main__":
    import jax
    _d = setup_inputs()
    print(jax.jit(kernel)(*tuple(_d.values())))

</pallas_src>

<mosaic_0001>
#map = affine_map<(d0, d1) -> (0, 0)>
#map1 = affine_map<(d0, d1) -> (0)>
#map2 = affine_map<(d0, d1) -> (0, 0, 0)>
module attributes {stable_mosaic.version = 14 : i64} {
  func.func @_agg_body(%arg0: i32, %arg1: i32, %arg2: memref<10000x128xf32, #tpu.memory_space<hbm>>, %arg3: memref<320000xi32, #tpu.memory_space<hbm>>, %arg4: memref<320000xi32, #tpu.memory_space<hbm>>, %arg5: memref<640x128xf32, #tpu.memory_space<hbm>>, %arg6: memref<2x10240x128xf32, #tpu.memory_space<hbm>>, %arg7: memref<10240x128xf32, #tpu.memory_space<vmem_shared>>, %arg8: memref<80xi32, #tpu.memory_space<vmem>>, %arg9: memref<80xi32, #tpu.memory_space<vmem>>, %arg10: memref<80x128xf32, #tpu.memory_space<vmem>>, %arg11: memref<!tpu.dma_semaphore, #tpu.memory_space<semaphore_mem>>, %arg12: memref<!tpu.dma_semaphore, #tpu.memory_space<semaphore_mem>>, %arg13: memref<80xi32, #tpu.memory_space<vmem>>, %arg14: memref<80xi32, #tpu.memory_space<vmem>>, %arg15: memref<80x128xf32, #tpu.memory_space<vmem>>, %arg16: memref<!tpu.dma_semaphore, #tpu.memory_space<semaphore_mem>>, %arg17: memref<!tpu.dma_semaphore, #tpu.memory_space<semaphore_mem>>, %arg18: memref<80xi32, #tpu.memory_space<vmem>>, %arg19: memref<80xi32, #tpu.memory_space<vmem>>, %arg20: memref<80x128xf32, #tpu.memory_space<vmem>>, %arg21: memref<!tpu.dma_semaphore, #tpu.memory_space<semaphore_mem>>, %arg22: memref<!tpu.dma_semaphore, #tpu.memory_space<semaphore_mem>>) attributes {dimension_semantics = [#tpu.dimension_semantics<core_parallel>, #tpu.dimension_semantics<subcore_parallel>], iteration_bounds = array<i64: 2, 16>, scalar_prefetch = 0 : i64, scratch_operands = 16 : i64, tpu.core_type = #tpu.core_type<sc_vector_subcore>, window_params = [{transform_indices = #map}, {transform_indices = #map1}, {transform_indices = #map1}, {transform_indices = #map}, {transform_indices = #map2}]} {
    %mul3A = arith.constant 2 : i32
    %mul3A_0 = arith.muli %arg1, %mul3A : i32
    %add3A = arith.addi %mul3A_0, %arg0 : i32
    %mul3A_1 = arith.constant 10000 : i32
    %mul3A_2 = arith.muli %add3A, %mul3A_1 : i32
    %mul3A_3 = arith.constant 640 : i32
    %mul3A_4 = arith.muli %arg1, %mul3A_3 : i32
    "tpu.region"() ({
      %run_scoped3A = tpu.sem_alloc : memref<!tpu.dma_semaphore, #tpu.memory_space<semaphore_mem>>
      %dma_start3A_48 = arith.constant 0 : i32
      %dma_start3A_49 = tpu.memref_slice %arg7[%mul3A_4, %dma_start3A_48] : memref<10240x128xf32, #tpu.memory_space<vmem_shared>> -> memref<640x128xf32, #tpu.memory_space<vmem_shared>>
      tpu.enqueue_dma source(%arg5 : memref<640x128xf32, #tpu.memory_space<hbm>>) target(%dma_start3A_49 : memref<640x128xf32, #tpu.memory_space<vmem_shared>>) target_semaphore(%run_scoped3A : memref<!tpu.dma_semaphore, #tpu.memory_space<semaphore_mem>>)
      %dma_wait3A_50 = arith.constant 0 : i32
      %dma_wait3A_51 = tpu.memref_slice %arg7[%mul3A_4, %dma_wait3A_50] : memref<10240x128xf32, #tpu.memory_space<vmem_shared>> -> memref<640x128xf32, #tpu.memory_space<vmem_shared>>
      tpu.wait_dma2 semaphore(%run_scoped3A : memref<!tpu.dma_semaphore, #tpu.memory_space<semaphore_mem>>) src(%arg5 : memref<640x128xf32, #tpu.memory_space<hbm>>) dst(%dma_wait3A_51 : memref<640x128xf32, #tpu.memory_space<vmem_shared>>)
      tpu.yield
    }) : () -> ()
    %barrier3A = arith.constant 0 : index
    tpu.barrier barrier_id(%barrier3A)
    %add3A_5 = arith.constant 0 : i32
    %add3A_6 = arith.addi %mul3A_2, %add3A_5 : i32
    %multiple_of3A = tpu.assume_multiple %add3A_6, 8 : i32
    "tpu.region"() ({
      %run_scoped3A = tpu.sem_alloc : memref<!tpu.dma_semaphore, #tpu.memory_space<semaphore_mem>>
      %dma_start3A_48 = tpu.memref_slice %arg3[%multiple_of3A] : memref<320000xi32, #tpu.memory_space<hbm>> -> memref<80xi32, #tpu.memory_space<hbm>>
      %dma_start3A_49 = tpu.memref_slice %arg3[%multiple_of3A] : memref<320000xi32, #tpu.memory_space<hbm>> -> memref<80xi32, #tpu.memory_space<hbm>>
      tpu.enqueue_dma source(%dma_start3A_49 : memref<80xi32, #tpu.memory_space<hbm>>) target(%arg8 : memref<80xi32, #tpu.memory_space<vmem>>) target_semaphore(%run_scoped3A : memref<!tpu.dma_semaphore, #tpu.memory_space<semaphore_mem>>)
      %dma_wait3A_50 = tpu.memref_slice %arg3[%multiple_of3A] : memref<320000xi32, #tpu.memory_space<hbm>> -> memref<80xi32, #tpu.memory_space<hbm>>
      %dma_wait3A_51 = tpu.memref_slice %arg3[%multiple_of3A] : memref<320000xi32, #tpu.memory_space<hbm>> -> memref<80xi32, #tpu.memory_space<hbm>>
      tpu.wait_dma2 semaphore(%run_scoped3A : memref<!tpu.dma_semaphore, #tpu.memory_space<semaphore_mem>>) src(%dma_wait3A_51 : memref<80xi32, #tpu.memory_space<hbm>>) dst(%arg8 : memref<80xi32, #tpu.memory_space<vmem>>)
      tpu.yield
    }) : () -> ()
    "tpu.region"() ({
      %run_scoped3A = tpu.sem_alloc : memref<!tpu.dma_semaphore, #tpu.memory_space<semaphore_mem>>
      %dma_start3A_48 = tpu.memref_slice %arg4[%multiple_of3A] : memref<320000xi32, #tpu.memory_space<hbm>> -> memref<80xi32, #tpu.memory_space<hbm>>
      %dma_start3A_49 = tpu.memref_slice %arg4[%multiple_of3A] : memref<320000xi32, #tpu.memory_space<hbm>> -> memref<80xi32, #tpu.memory_space<hbm>>
      tpu.enqueue_dma source(%dma_start3A_49 : memref<80xi32, #tpu.memory_space<hbm>>) target(%arg9 : memref<80xi32, #tpu.memory_space<vmem>>) target_semaphore(%run_scoped3A : memref<!tpu.dma_semaphore, #tpu.memory_space<semaphore_mem>>)
      %dma_wait3A_50 = tpu.memref_slice %arg4[%multiple_of3A] : memref<320000xi32, #tpu.memory_space<hbm>> -> memref<80xi32, #tpu.memory_space<hbm>>
      %dma_wait3A_51 = tpu.memref_slice %arg4[%multiple_of3A] : memref<320000xi32, #tpu.memory_space<hbm>> -> memref<80xi32, #tpu.memory_space<hbm>>
      tpu.wait_dma2 semaphore(%run_scoped3A : memref<!tpu.dma_semaphore, #tpu.memory_space<semaphore_mem>>) src(%dma_wait3A_51 : memref<80xi32, #tpu.memory_space<hbm>>) dst(%arg9 : memref<80xi32, #tpu.memory_space<vmem>>)
      tpu.yield
    }) : () -> ()
    %dma_start3A = arith.constant 0 : i32
    %dma_start3A_7 = arith.constant 0 : i32
    %dma_start3A_8 = tpu.memref_slice %arg2[%dma_start3A, %dma_start3A_7] : memref<10000x128xf32, #tpu.memory_space<hbm>> -> memref<10000x128xf32, #tpu.memory_space<hbm>>
    tpu.enqueue_indirect_dma source(%dma_start3A_8 : memref<10000x128xf32, #tpu.memory_space<hbm>>) target(%arg10 : memref<80x128xf32, #tpu.memory_space<vmem>>) offsets(%arg8 : memref<80xi32, #tpu.memory_space<vmem>>) semaphore(%arg11 : memref<!tpu.dma_semaphore, #tpu.memory_space<semaphore_mem>>)
    %add3A_9 = arith.constant 80 : i32
    %add3A_10 = arith.addi %mul3A_2, %add3A_9 : i32
    %multiple_of3A_11 = tpu.assume_multiple %add3A_10, 8 : i32
    "tpu.region"() ({
      %run_scoped3A = tpu.sem_alloc : memref<!tpu.dma_semaphore, #tpu.memory_space<semaphore_mem>>
      %dma_start3A_48 = tpu.memref_slice %arg3[%multiple_of3A_11] : memref<320000xi32, #tpu.memory_space<hbm>> -> memref<80xi32, #tpu.memory_space<hbm>>
      %dma_start3A_49 = tpu.memref_slice %arg3[%multiple_of3A_11] : memref<320000xi32, #tpu.memory_space<hbm>> -> memref<80xi32, #tpu.memory_space<hbm>>
      tpu.enqueue_dma source(%dma_start3A_49 : memref<80xi32, #tpu.memory_space<hbm>>) target(%arg13 : memref<80xi32, #tpu.memory_space<vmem>>) target_semaphore(%run_scoped3A : memref<!tpu.dma_semaphore, #tpu.memory_space<semaphore_mem>>)
      %dma_wait3A_50 = tpu.memref_slice %arg3[%multiple_of3A_11] : memref<320000xi32, #tpu.memory_space<hbm>> -> memref<80xi32, #tpu.memory_space<hbm>>
      %dma_wait3A_51 = tpu.memref_slice %arg3[%multiple_of3A_11] : memref<320000xi32, #tpu.memory_space<hbm>> -> memref<80xi32, #tpu.memory_space<hbm>>
      tpu.wait_dma2 semaphore(%run_scoped3A : memref<!tpu.dma_semaphore, #tpu.memory_space<semaphore_mem>>) src(%dma_wait3A_51 : memref<80xi32, #tpu.memory_space<hbm>>) dst(%arg13 : memref<80xi32, #tpu.memory_space<vmem>>)
      tpu.yield
    }) : () -> ()
    "tpu.region"() ({
      %run_scoped3A = tpu.sem_alloc : memref<!tpu.dma_semaphore, #tpu.memory_space<semaphore_mem>>
      %dma_start3A_48 = tpu.memref_slice %arg4[%multiple_of3A_11] : memref<320000xi32, #tpu.memory_space<hbm>> -> memref<80xi32, #tpu.memory_space<hbm>>
      %dma_start3A_49 = tpu.memref_slice %arg4[%multiple_of3A_11] : memref<320000xi32, #tpu.memory_space<hbm>> -> memref<80xi32, #tpu.memory_space<hbm>>
      tpu.enqueue_dma source(%dma_start3A_49 : memref<80xi32, #tpu.memory_space<hbm>>) target(%arg14 : memref<80xi32, #tpu.memory_space<vmem>>) target_semaphore(%run_scoped3A : memref<!tpu.dma_semaphore, #tpu.memory_space<semaphore_mem>>)
      %dma_wait3A_50 = tpu.memref_slice %arg4[%multiple_of3A_11] : memref<320000xi32, #tpu.memory_space<hbm>> -> memref<80xi32, #tpu.memory_space<hbm>>
      %dma_wait3A_51 = tpu.memref_slice %arg4[%multiple_of3A_11] : memref<320000xi32, #tpu.memory_space<hbm>> -> memref<80xi32, #tpu.memory_space<hbm>>
      tpu.wait_dma2 semaphore(%run_scoped3A : memref<!tpu.dma_semaphore, #tpu.memory_space<semaphore_mem>>) src(%dma_wait3A_51 : memref<80xi32, #tpu.memory_space<hbm>>) dst(%arg14 : memref<80xi32, #tpu.memory_space<vmem>>)
      tpu.yield
    }) : () -> ()
    %dma_start3A_12 = arith.constant 0 : i32
    %dma_start3A_13 = arith.constant 0 : i32
    %dma_start3A_14 = tpu.memref_slice %arg2[%dma_start3A_12, %dma_start3A_13] : memref<10000x128xf32, #tpu.memory_space<hbm>> -> memref<10000x128xf32, #tpu.memory_space<hbm>>
    tpu.enqueue_indirect_dma source(%dma_start3A_14 : memref<10000x128xf32, #tpu.memory_space<hbm>>) target(%arg15 : memref<80x128xf32, #tpu.memory_space<vmem>>) offsets(%arg13 : memref<80xi32, #tpu.memory_space<vmem>>) semaphore(%arg16 : memref<!tpu.dma_semaphore, #tpu.memory_space<semaphore_mem>>)
    %dma_wait3A = arith.constant 0 : i32
    %dma_wait3A_15 = arith.constant 0 : i32
    %dma_wait3A_16 = tpu.memref_slice %arg2[%dma_wait3A, %dma_wait3A_15] : memref<10000x128xf32, #tpu.memory_space<hbm>> -> memref<10000x128xf32, #tpu.memory_space<hbm>>
    tpu.wait_indirect_dma semaphore(%arg11 : memref<!tpu.dma_semaphore, #tpu.memory_space<semaphore_mem>>) src(%dma_wait3A_16 : memref<10000x128xf32, #tpu.memory_space<hbm>>) dst(%arg10 : memref<80x128xf32, #tpu.memory_space<vmem>>)
    %dma_start3A_17 = arith.constant 0 : i32
    %dma_start3A_18 = arith.constant 0 : i32
    %dma_start3A_19 = tpu.memref_slice %arg7[%dma_start3A_17, %dma_start3A_18] : memref<10240x128xf32, #tpu.memory_space<vmem_shared>> -> memref<10240x128xf32, #tpu.memory_space<vmem_shared>>
    tpu.enqueue_indirect_dma source(%arg10 : memref<80x128xf32, #tpu.memory_space<vmem>>) target(%dma_start3A_19 : memref<10240x128xf32, #tpu.memory_space<vmem_shared>>) offsets(%arg9 : memref<80xi32, #tpu.memory_space<vmem>>) semaphore(%arg12 : memref<!tpu.dma_semaphore, #tpu.memory_space<semaphore_mem>>) {add = true}
    %add3A_20 = arith.constant 160 : i32
    %add3A_21 = arith.addi %mul3A_2, %add3A_20 : i32
    %multiple_of3A_22 = tpu.assume_multiple %add3A_21, 8 : i32
    "tpu.region"() ({
      %run_scoped3A = tpu.sem_alloc : memref<!tpu.dma_semaphore, #tpu.memory_space<semaphore_mem>>
      %dma_start3A_48 = tpu.memref_slice %arg3[%multiple_of3A_22] : memref<320000xi32, #tpu.memory_space<hbm>> -> memref<80xi32, #tpu.memory_space<hbm>>
      %dma_start3A_49 = tpu.memref_slice %arg3[%multiple_of3A_22] : memref<320000xi32, #tpu.memory_space<hbm>> -> memref<80xi32, #tpu.memory_space<hbm>>
      tpu.enqueue_dma source(%dma_start3A_49 : memref<80xi32, #tpu.memory_space<hbm>>) target(%arg18 : memref<80xi32, #tpu.memory_space<vmem>>) target_semaphore(%run_scoped3A : memref<!tpu.dma_semaphore, #tpu.memory_space<semaphore_mem>>)
      %dma_wait3A_50 = tpu.memref_slice %arg3[%multiple_of3A_22] : memref<320000xi32, #tpu.memory_space<hbm>> -> memref<80xi32, #tpu.memory_space<hbm>>
      %dma_wait3A_51 = tpu.memref_slice %arg3[%multiple_of3A_22] : memref<320000xi32, #tpu.memory_space<hbm>> -> memref<80xi32, #tpu.memory_space<hbm>>
      tpu.wait_dma2 semaphore(%run_scoped3A : memref<!tpu.dma_semaphore, #tpu.memory_space<semaphore_mem>>) src(%dma_wait3A_51 : memref<80xi32, #tpu.memory_space<hbm>>) dst(%arg18 : memref<80xi32, #tpu.memory_space<vmem>>)
      tpu.yield
    }) : () -> ()
    "tpu.region"() ({
      %run_scoped3A = tpu.sem_alloc : memref<!tpu.dma_semaphore, #tpu.memory_space<semaphore_mem>>
      %dma_start3A_48 = tpu.memref_slice %arg4[%multiple_of3A_22] : memref<320000xi32, #tpu.memory_space<hbm>> -> memref<80xi32, #tpu.memory_space<hbm>>
      %dma_start3A_49 = tpu.memref_slice %arg4[%multiple_of3A_22] : memref<320000xi32, #tpu.memory_space<hbm>> -> memref<80xi32, #tpu.memory_space<hbm>>
      tpu.enqueue_dma source(%dma_start3A_49 : memref<80xi32, #tpu.memory_space<hbm>>) target(%arg19 : memref<80xi32, #tpu.memory_space<vmem>>) target_semaphore(%run_scoped3A : memref<!tpu.dma_semaphore, #tpu.memory_space<semaphore_mem>>)
      %dma_wait3A_50 = tpu.memref_slice %arg4[%multiple_of3A_22] : memref<320000xi32, #tpu.memory_space<hbm>> -> memref<80xi32, #tpu.memory_space<hbm>>
      %dma_wait3A_51 = tpu.memref_slice %arg4[%multiple_of3A_22] : memref<320000xi32, #tpu.memory_space<hbm>> -> memref<80xi32, #tpu.memory_space<hbm>>
      tpu.wait_dma2 semaphore(%run_scoped3A : memref<!tpu.dma_semaphore, #tpu.memory_space<semaphore_mem>>) src(%dma_wait3A_51 : memref<80xi32, #tpu.memory_space<hbm>>) dst(%arg19 : memref<80xi32, #tpu.memory_space<vmem>>)
      tpu.yield
    }) : () -> ()
    %dma_start3A_23 = arith.constant 0 : i32
    %dma_start3A_24 = arith.constant 0 : i32
    %dma_start3A_25 = tpu.memref_slice %arg2[%dma_start3A_23, %dma_start3A_24] : memref<10000x128xf32, #tpu.memory_space<hbm>> -> memref<10000x128xf32, #tpu.memory_space<hbm>>
    tpu.enqueue_indirect_dma source(%dma_start3A_25 : memref<10000x128xf32, #tpu.memory_space<hbm>>) target(%arg20 : memref<80x128xf32, #tpu.memory_space<vmem>>) offsets(%arg18 : memref<80xi32, #tpu.memory_space<vmem>>) semaphore(%arg21 : memref<!tpu.dma_semaphore, #tpu.memory_space<semaphore_mem>>)
    %scan3A = arith.constant 0 : i32
    %scan3A_26 = arith.constant 0 : i32
    %scan3A_27 = arith.constant 41 : i32
    %scan3A_28 = arith.addi %scan3A_26, %scan3A_27 : i32
    %scan3A_29 = arith.constant 1 : i32
    scf.for %scan3A_48 = %scan3A_26 to %scan3A_28 step %scan3A_29  : i32 {
      %mul3A_49 = arith.constant 3 : i32
      %mul3A_50 = arith.muli %mul3A_49, %scan3A_48 : i32
      %add3A_51 = arith.constant 1 : i32
      %add3A_52 = arith.addi %mul3A_50, %add3A_51 : i32
      %add3A_53 = arith.constant 0 : i32
      %add3A_54 = arith.addi %add3A_52, %add3A_53 : i32
      %dma_wait3A_55 = arith.constant 0 : i32
      %dma_wait3A_56 = arith.constant 0 : i32
      %dma_wait3A_57 = tpu.memref_slice %arg2[%dma_wait3A_55, %dma_wait3A_56] : memref<10000x128xf32, #tpu.memory_space<hbm>> -> memref<10000x128xf32, #tpu.memory_space<hbm>>
      tpu.wait_indirect_dma semaphore(%arg16 : memref<!tpu.dma_semaphore, #tpu.memory_space<semaphore_mem>>) src(%dma_wait3A_57 : memref<10000x128xf32, #tpu.memory_space<hbm>>) dst(%arg15 : memref<80x128xf32, #tpu.memory_space<vmem>>)
      %dma_start3A_58 = arith.constant 0 : i32
      %dma_start3A_59 = arith.constant 0 : i32
      %dma_start3A_60 = tpu.memref_slice %arg7[%dma_start3A_58, %dma_start3A_59] : memref<10240x128xf32, #tpu.memory_space<vmem_shared>> -> memref<10240x128xf32, #tpu.memory_space<vmem_shared>>
      tpu.enqueue_indirect_dma source(%arg15 : memref<80x128xf32, #tpu.memory_space<vmem>>) target(%dma_start3A_60 : memref<10240x128xf32, #tpu.memory_space<vmem_shared>>) offsets(%arg14 : memref<80xi32, #tpu.memory_space<vmem>>) semaphore(%arg17 : memref<!tpu.dma_semaphore, #tpu.memory_space<semaphore_mem>>) {add = true}
      %dma_wait3A_61 = arith.constant 0 : i32
      %dma_wait3A_62 = arith.constant 0 : i32
      %dma_wait3A_63 = tpu.memref_slice %arg7[%dma_wait3A_61, %dma_wait3A_62] : memref<10240x128xf32, #tpu.memory_space<vmem_shared>> -> memref<10240x128xf32, #tpu.memory_space<vmem_shared>>
      tpu.wait_indirect_dma semaphore(%arg12 : memref<!tpu.dma_semaphore, #tpu.memory_space<semaphore_mem>>) src(%arg10 : memref<80x128xf32, #tpu.memory_space<vmem>>) dst(%dma_wait3A_63 : memref<10240x128xf32, #tpu.memory_space<vmem_shared>>)
      %add3A_64 = arith.constant 2 : i32
      %add3A_65 = arith.addi %add3A_54, %add3A_64 : i32
      %lt3A = arith.constant 125 : i32
      %lt3A_66 = arith.cmpi slt, %add3A_65, %lt3A : i32
      %convert_element_type3A = arith.extui %lt3A_66 : i1 to i32
      %cond3A = arith.constant 0 : i32
      %cond3A_67 = arith.cmpi ne, %convert_element_type3A, %cond3A : i32
      scf.if %cond3A_67 {
        %add3A_104 = arith.constant 2 : i32
        %add3A_105 = arith.addi %add3A_54, %add3A_104 : i32
        %mul3A_106 = arith.constant 80 : i32
        %mul3A_107 = arith.muli %add3A_105, %mul3A_106 : i32
        %add3A_108 = arith.addi %mul3A_2, %mul3A_107 : i32
        %multiple_of3A_109 = tpu.assume_multiple %add3A_108, 8 : i32
        "tpu.region"() ({
          %run_scoped3A = tpu.sem_alloc : memref<!tpu.dma_semaphore, #tpu.memory_space<semaphore_mem>>
          %dma_start3A_113 = tpu.memref_slice %arg3[%multiple_of3A_109] : memref<320000xi32, #tpu.memory_space<hbm>> -> memref<80xi32, #tpu.memory_space<hbm>>
          %dma_start3A_114 = tpu.memref_slice %arg3[%multiple_of3A_109] : memref<320000xi32, #tpu.memory_space<hbm>> -> memref<80xi32, #tpu.memory_space<hbm>>
          tpu.enqueue_dma source(%dma_start3A_114 : memref<80xi32, #tpu.memory_space<hbm>>) target(%arg8 : memref<80xi32, #tpu.memory_space<vmem>>) target_semaphore(%run_scoped3A : memref<!tpu.dma_semaphore, #tpu.memory_space<semaphore_mem>>)
          %dma_wait3A_115 = tpu.memref_slice %arg3[%multiple_of3A_109] : memref<320000xi32, #tpu.memory_space<hbm>> -> memref<80xi32, #tpu.memory_space<hbm>>
          %dma_wait3A_116 = tpu.memref_slice %arg3[%multiple_of3A_109] : memref<320000xi32, #tpu.memory_space<hbm>> -> memref<80xi32, #tpu.memory_space<hbm>>
          tpu.wait_dma2 semaphore(%run_scoped3A : memref<!tpu.dma_semaphore, #tpu.memory_space<semaphore_mem>>) src(%dma_wait3A_116 : memref<80xi32, #tpu.memory_space<hbm>>) dst(%arg8 : memref<80xi32, #tpu.memory_space<vmem>>)
          tpu.yield
        }) : () -> ()
        "tpu.region"() ({
          %run_scoped3A = tpu.sem_alloc : memref<!tpu.dma_semaphore, #tpu.memory_space<semaphore_mem>>
          %dma_start3A_113 = tpu.memref_slice %arg4[%multiple_of3A_109] : memref<320000xi32, #tpu.memory_space<hbm>> -> memref<80xi32, #tpu.memory_space<hbm>>
          %dma_start3A_114 = tpu.memref_slice %arg4[%multiple_of3A_109] : memref<320000xi32, #tpu.memory_space<hbm>> -> memref<80xi32, #tpu.memory_space<hbm>>
          tpu.enqueue_dma source(%dma_start3A_114 : memref<80xi32, #tpu.memory_space<hbm>>) target(%arg9 : memref<80xi32, #tpu.memory_space<vmem>>) target_semaphore(%run_scoped3A : memref<!tpu.dma_semaphore, #tpu.memory_space<semaphore_mem>>)
          %dma_wait3A_115 = tpu.memref_slice %arg4[%multiple_of3A_109] : memref<320000xi32, #tpu.memory_space<hbm>> -> memref<80xi32, #tpu.memory_space<hbm>>
          %dma_wait3A_116 = tpu.memref_slice %arg4[%multiple_of3A_109] : memref<320000xi32, #tpu.memory_space<hbm>> -> memref<80xi32, #tpu.memory_space<hbm>>
          tpu.wait_dma2 semaphore(%run_scoped3A : memref<!tpu.dma_semaphore, #tpu.memory_space<semaphore_mem>>) src(%dma_wait3A_116 : memref<80xi32, #tpu.memory_space<hbm>>) dst(%arg9 : memref<80xi32, #tpu.memory_space<vmem>>)
          tpu.yield
        }) : () -> ()
        %dma_start3A_110 = arith.constant 0 : i32
        %dma_start3A_111 = arith.constant 0 : i32
        %dma_start3A_112 = tpu.memref_slice %arg2[%dma_start3A_110, %dma_start3A_111] : memref<10000x128xf32, #tpu.memory_space<hbm>> -> memref<10000x128xf32, #tpu.memory_space<hbm>>
        tpu.enqueue_indirect_dma source(%dma_start3A_112 : memref<10000x128xf32, #tpu.memory_space<hbm>>) target(%arg10 : memref<80x128xf32, #tpu.memory_space<vmem>>) offsets(%arg8 : memref<80xi32, #tpu.memory_space<vmem>>) semaphore(%arg11 : memref<!tpu.dma_semaphore, #tpu.memory_space<semaphore_mem>>)
      } else {
      }
      %add3A_68 = arith.constant 1 : i32
      %add3A_69 = arith.addi %add3A_52, %add3A_68 : i32
      %dma_wait3A_70 = arith.constant 0 : i32
      %dma_wait3A_71 = arith.constant 0 : i32
      %dma_wait3A_72 = tpu.memref_slice %arg2[%dma_wait3A_70, %dma_wait3A_71] : memref<10000x128xf32, #tpu.memory_space<hbm>> -> memref<10000x128xf32, #tpu.memory_space<hbm>>
      tpu.wait_indirect_dma semaphore(%arg21 : memref<!tpu.dma_semaphore, #tpu.memory_space<semaphore_mem>>) src(%dma_wait3A_72 : memref<10000x128xf32, #tpu.memory_space<hbm>>) dst(%arg20 : memref<80x128xf32, #tpu.memory_space<vmem>>)
      %dma_start3A_73 = arith.constant 0 : i32
      %dma_start3A_74 = arith.constant 0 : i32
      %dma_start3A_75 = tpu.memref_slice %arg7[%dma_start3A_73, %dma_start3A_74] : memref<10240x128xf32, #tpu.memory_space<vmem_shared>> -> memref<10240x128xf32, #tpu.memory_space<vmem_shared>>
      tpu.enqueue_indirect_dma source(%arg20 : memref<80x128xf32, #tpu.memory_space<vmem>>) target(%dma_start3A_75 : memref<10240x128xf32, #tpu.memory_space<vmem_shared>>) offsets(%arg19 : memref<80xi32, #tpu.memory_space<vmem>>) semaphore(%arg22 : memref<!tpu.dma_semaphore, #tpu.memory_space<semaphore_mem>>) {add = true}
      %dma_wait3A_76 = arith.constant 0 : i32
      %dma_wait3A_77 = arith.constant 0 : i32
      %dma_wait3A_78 = tpu.memref_slice %arg7[%dma_wait3A_76, %dma_wait3A_77] : memref<10240x128xf32, #tpu.memory_space<vmem_shared>> -> memref<10240x128xf32, #tpu.memory_space<vmem_shared>>
      tpu.wait_indirect_dma semaphore(%arg17 : memref<!tpu.dma_semaphore, #tpu.memory_space<semaphore_mem>>) src(%arg15 : memref<80x128xf32, #tpu.memory_space<vmem>>) dst(%dma_wait3A_78 : memref<10240x128xf32, #tpu.memory_space<vmem_shared>>)
      %add3A_79 = arith.constant 2 : i32
      %add3A_80 = arith.addi %add3A_69, %add3A_79 : i32
      %lt3A_81 = arith.constant 125 : i32
      %lt3A_82 = arith.cmpi slt, %add3A_80, %lt3A_81 : i32
      %convert_element_type3A_83 = arith.extui %lt3A_82 : i1 to i32
      %cond3A_84 = arith.constant 0 : i32
      %cond3A_85 = arith.cmpi ne, %convert_element_type3A_83, %cond3A_84 : i32
      scf.if %cond3A_85 {
        %add3A_104 = arith.constant 2 : i32
        %add3A_105 = arith.addi %add3A_69, %add3A_104 : i32
        %mul3A_106 = arith.constant 80 : i32
        %mul3A_107 = arith.muli %add3A_105, %mul3A_106 : i32
        %add3A_108 = arith.addi %mul3A_2, %mul3A_107 : i32
        %multiple_of3A_109 = tpu.assume_multiple %add3A_108, 8 : i32
        "tpu.region"() ({
          %run_scoped3A = tpu.sem_alloc : memref<!tpu.dma_semaphore, #tpu.memory_space<semaphore_mem>>
          %dma_start3A_113 = tpu.memref_slice %arg3[%multiple_of3A_109] : memref<320000xi32, #tpu.memory_space<hbm>> -> memref<80xi32, #tpu.memory_space<hbm>>
          %dma_start3A_114 = tpu.memref_slice %arg3[%multiple_of3A_109] : memref<320000xi32, #tpu.memory_space<hbm>> -> memref<80xi32, #tpu.memory_space<hbm>>
          tpu.enqueue_dma source(%dma_start3A_114 : memref<80xi32, #tpu.memory_space<hbm>>) target(%arg13 : memref<80xi32, #tpu.memory_space<vmem>>) target_semaphore(%run_scoped3A : memref<!tpu.dma_semaphore, #tpu.memory_space<semaphore_mem>>)
          %dma_wait3A_115 = tpu.memref_slice %arg3[%multiple_of3A_109] : memref<320000xi32, #tpu.memory_space<hbm>> -> memref<80xi32, #tpu.memory_space<hbm>>
          %dma_wait3A_116 = tpu.memref_slice %arg3[%multiple_of3A_109] : memref<320000xi32, #tpu.memory_space<hbm>> -> memref<80xi32, #tpu.memory_space<hbm>>
          tpu.wait_dma2 semaphore(%run_scoped3A : memref<!tpu.dma_semaphore, #tpu.memory_space<semaphore_mem>>) src(%dma_wait3A_116 : memref<80xi32, #tpu.memory_space<hbm>>) dst(%arg13 : memref<80xi32, #tpu.memory_space<vmem>>)
          tpu.yield
        }) : () -> ()
        "tpu.region"() ({
          %run_scoped3A = tpu.sem_alloc : memref<!tpu.dma_semaphore, #tpu.memory_space<semaphore_mem>>
          %dma_start3A_113 = tpu.memref_slice %arg4[%multiple_of3A_109] : memref<320000xi32, #tpu.memory_space<hbm>> -> memref<80xi32, #tpu.memory_space<hbm>>
          %dma_start3A_114 = tpu.memref_slice %arg4[%multiple_of3A_109] : memref<320000xi32, #tpu.memory_space<hbm>> -> memref<80xi32, #tpu.memory_space<hbm>>
          tpu.enqueue_dma source(%dma_start3A_114 : memref<80xi32, #tpu.memory_space<hbm>>) target(%arg14 : memref<80xi32, #tpu.memory_space<vmem>>) target_semaphore(%run_scoped3A : memref<!tpu.dma_semaphore, #tpu.memory_space<semaphore_mem>>)
          %dma_wait3A_115 = tpu.memref_slice %arg4[%multiple_of3A_109] : memref<320000xi32, #tpu.memory_space<hbm>> -> memref<80xi32, #tpu.memory_space<hbm>>
          %dma_wait3A_116 = tpu.memref_slice %arg4[%multiple_of3A_109] : memref<320000xi32, #tpu.memory_space<hbm>> -> memref<80xi32, #tpu.memory_space<hbm>>
          tpu.wait_dma2 semaphore(%run_scoped3A : memref<!tpu.dma_semaphore, #tpu.memory_space<semaphore_mem>>) src(%dma_wait3A_116 : memref<80xi32, #tpu.memory_space<hbm>>) dst(%arg14 : memref<80xi32, #tpu.memory_space<vmem>>)
          tpu.yield
        }) : () -> ()
        %dma_start3A_110 = arith.constant 0 : i32
        %dma_start3A_111 = arith.constant 0 : i32
        %dma_start3A_112 = tpu.memref_slice %arg2[%dma_start3A_110, %dma_start3A_111] : memref<10000x128xf32, #tpu.memory_space<hbm>> -> memref<10000x128xf32, #tpu.memory_space<hbm>>
        tpu.enqueue_indirect_dma source(%dma_start3A_112 : memref<10000x128xf32, #tpu.memory_space<hbm>>) target(%arg15 : memref<80x128xf32, #tpu.memory_space<vmem>>) offsets(%arg13 : memref<80xi32, #tpu.memory_space<vmem>>) semaphore(%arg16 : memref<!tpu.dma_semaphore, #tpu.memory_space<semaphore_mem>>)
      } else {
      }
      %add3A_86 = arith.constant 2 : i32
      %add3A_87 = arith.addi %add3A_52, %add3A_86 : i32
      %dma_wait3A_88 = arith.constant 0 : i32
      %dma_wait3A_89 = arith.constant 0 : i32
      %dma_wait3A_90 = tpu.memref_slice %arg2[%dma_wait3A_88, %dma_wait3A_89] : memref<10000x128xf32, #tpu.memory_space<hbm>> -> memref<10000x128xf32, #tpu.memory_space<hbm>>
      tpu.wait_indirect_dma semaphore(%arg11 : memref<!tpu.dma_semaphore, #tpu.memory_space<semaphore_mem>>) src(%dma_wait3A_90 : memref<10000x128xf32, #tpu.memory_space<hbm>>) dst(%arg10 : memref<80x128xf32, #tpu.memory_space<vmem>>)
      %dma_start3A_91 = arith.constant 0 : i32
      %dma_start3A_92 = arith.constant 0 : i32
      %dma_start3A_93 = tpu.memref_slice %arg7[%dma_start3A_91, %dma_start3A_92] : memref<10240x128xf32, #tpu.memory_space<vmem_shared>> -> memref<10240x128xf32, #tpu.memory_space<vmem_shared>>
      tpu.enqueue_indirect_dma source(%arg10 : memref<80x128xf32, #tpu.memory_space<vmem>>) target(%dma_start3A_93 : memref<10240x128xf32, #tpu.memory_space<vmem_shared>>) offsets(%arg9 : memref<80xi32, #tpu.memory_space<vmem>>) semaphore(%arg12 : memref<!tpu.dma_semaphore, #tpu.memory_space<semaphore_mem>>) {add = true}
      %dma_wait3A_94 = arith.constant 0 : i32
      %dma_wait3A_95 = arith.constant 0 : i32
      %dma_wait3A_96 = tpu.memref_slice %arg7[%dma_wait3A_94, %dma_wait3A_95] : memref<10240x128xf32, #tpu.memory_space<vmem_shared>> -> memref<10240x128xf32, #tpu.memory_space<vmem_shared>>
      tpu.wait_indirect_dma semaphore(%arg22 : memref<!tpu.dma_semaphore, #tpu.memory_space<semaphore_mem>>) src(%arg20 : memref<80x128xf32, #tpu.memory_space<vmem>>) dst(%dma_wait3A_96 : memref<10240x128xf32, #tpu.memory_space<vmem_shared>>)
      %add3A_97 = arith.constant 2 : i32
      %add3A_98 = arith.addi %add3A_87, %add3A_97 : i32
      %lt3A_99 = arith.constant 125 : i32
      %lt3A_100 = arith.cmpi slt, %add3A_98, %lt3A_99 : i32
      %convert_element_type3A_101 = arith.extui %lt3A_100 : i1 to i32
      %cond3A_102 = arith.constant 0 : i32
      %cond3A_103 = arith.cmpi ne, %convert_element_type3A_101, %cond3A_102 : i32
      scf.if %cond3A_103 {
        %add3A_104 = arith.constant 2 : i32
        %add3A_105 = arith.addi %add3A_87, %add3A_104 : i32
        %mul3A_106 = arith.constant 80 : i32
        %mul3A_107 = arith.muli %add3A_105, %mul3A_106 : i32
        %add3A_108 = arith.addi %mul3A_2, %mul3A_107 : i32
        %multiple_of3A_109 = tpu.assume_multiple %add3A_108, 8 : i32
        "tpu.region"() ({
          %run_scoped3A = tpu.sem_alloc : memref<!tpu.dma_semaphore, #tpu.memory_space<semaphore_mem>>
          %dma_start3A_113 = tpu.memref_slice %arg3[%multiple_of3A_109] : memref<320000xi32, #tpu.memory_space<hbm>> -> memref<80xi32, #tpu.memory_space<hbm>>
          %dma_start3A_114 = tpu.memref_slice %arg3[%multiple_of3A_109] : memref<320000xi32, #tpu.memory_space<hbm>> -> memref<80xi32, #tpu.memory_space<hbm>>
          tpu.enqueue_dma source(%dma_start3A_114 : memref<80xi32, #tpu.memory_space<hbm>>) target(%arg18 : memref<80xi32, #tpu.memory_space<vmem>>) target_semaphore(%run_scoped3A : memref<!tpu.dma_semaphore, #tpu.memory_space<semaphore_mem>>)
          %dma_wait3A_115 = tpu.memref_slice %arg3[%multiple_of3A_109] : memref<320000xi32, #tpu.memory_space<hbm>> -> memref<80xi32, #tpu.memory_space<hbm>>
          %dma_wait3A_116 = tpu.memref_slice %arg3[%multiple_of3A_109] : memref<320000xi32, #tpu.memory_space<hbm>> -> memref<80xi32, #tpu.memory_space<hbm>>
          tpu.wait_dma2 semaphore(%run_scoped3A : memref<!tpu.dma_semaphore, #tpu.memory_space<semaphore_mem>>) src(%dma_wait3A_116 : memref<80xi32, #tpu.memory_space<hbm>>) dst(%arg18 : memref<80xi32, #tpu.memory_space<vmem>>)
          tpu.yield
        }) : () -> ()
        "tpu.region"() ({
          %run_scoped3A = tpu.sem_alloc : memref<!tpu.dma_semaphore, #tpu.memory_space<semaphore_mem>>
          %dma_start3A_113 = tpu.memref_slice %arg4[%multiple_of3A_109] : memref<320000xi32, #tpu.memory_space<hbm>> -> memref<80xi32, #tpu.memory_space<hbm>>
          %dma_start3A_114 = tpu.memref_slice %arg4[%multiple_of3A_109] : memref<320000xi32, #tpu.memory_space<hbm>> -> memref<80xi32, #tpu.memory_space<hbm>>
          tpu.enqueue_dma source(%dma_start3A_114 : memref<80xi32, #tpu.memory_space<hbm>>) target(%arg19 : memref<80xi32, #tpu.memory_space<vmem>>) target_semaphore(%run_scoped3A : memref<!tpu.dma_semaphore, #tpu.memory_space<semaphore_mem>>)
          %dma_wait3A_115 = tpu.memref_slice %arg4[%multiple_of3A_109] : memref<320000xi32, #tpu.memory_space<hbm>> -> memref<80xi32, #tpu.memory_space<hbm>>
          %dma_wait3A_116 = tpu.memref_slice %arg4[%multiple_of3A_109] : memref<320000xi32, #tpu.memory_space<hbm>> -> memref<80xi32, #tpu.memory_space<hbm>>
          tpu.wait_dma2 semaphore(%run_scoped3A : memref<!tpu.dma_semaphore, #tpu.memory_space<semaphore_mem>>) src(%dma_wait3A_116 : memref<80xi32, #tpu.memory_space<hbm>>) dst(%arg19 : memref<80xi32, #tpu.memory_space<vmem>>)
          tpu.yield
        }) : () -> ()
        %dma_start3A_110 = arith.constant 0 : i32
        %dma_start3A_111 = arith.constant 0 : i32
        %dma_start3A_112 = tpu.memref_slice %arg2[%dma_start3A_110, %dma_start3A_111] : memref<10000x128xf32, #tpu.memory_space<hbm>> -> memref<10000x128xf32, #tpu.memory_space<hbm>>
        tpu.enqueue_indirect_dma source(%dma_start3A_112 : memref<10000x128xf32, #tpu.memory_space<hbm>>) target(%arg20 : memref<80x128xf32, #tpu.memory_space<vmem>>) offsets(%arg18 : memref<80xi32, #tpu.memory_space<vmem>>) semaphore(%arg21 : memref<!tpu.dma_semaphore, #tpu.memory_space<semaphore_mem>>)
      } else {
      }
    }
    %scan3A_30 = arith.constant 41 : i32
    %dma_wait3A_31 = arith.constant 0 : i32
    %dma_wait3A_32 = arith.constant 0 : i32
    %dma_wait3A_33 = tpu.memref_slice %arg2[%dma_wait3A_31, %dma_wait3A_32] : memref<10000x128xf32, #tpu.memory_space<hbm>> -> memref<10000x128xf32, #tpu.memory_space<hbm>>
    tpu.wait_indirect_dma semaphore(%arg16 : memref<!tpu.dma_semaphore, #tpu.memory_space<semaphore_mem>>) src(%dma_wait3A_33 : memref<10000x128xf32, #tpu.memory_space<hbm>>) dst(%arg15 : memref<80x128xf32, #tpu.memory_space<vmem>>)
    %dma_start3A_34 = arith.constant 0 : i32
    %dma_start3A_35 = arith.constant 0 : i32
    %dma_start3A_36 = tpu.memref_slice %arg7[%dma_start3A_34, %dma_start3A_35] : memref<10240x128xf32, #tpu.memory_space<vmem_shared>> -> memref<10240x128xf32, #tpu.memory_space<vmem_shared>>
    tpu.enqueue_indirect_dma source(%arg15 : memref<80x128xf32, #tpu.memory_space<vmem>>) target(%dma_start3A_36 : memref<10240x128xf32, #tpu.memory_space<vmem_shared>>) offsets(%arg14 : memref<80xi32, #tpu.memory_space<vmem>>) semaphore(%arg17 : memref<!tpu.dma_semaphore, #tpu.memory_space<semaphore_mem>>) {add = true}
    %dma_wait3A_37 = arith.constant 0 : i32
    %dma_wait3A_38 = arith.constant 0 : i32
    %dma_wait3A_39 = tpu.memref_slice %arg7[%dma_wait3A_37, %dma_wait3A_38] : memref<10240x128xf32, #tpu.memory_space<vmem_shared>> -> memref<10240x128xf32, #tpu.memory_space<vmem_shared>>
    tpu.wait_indirect_dma semaphore(%arg12 : memref<!tpu.dma_semaphore, #tpu.memory_space<semaphore_mem>>) src(%arg10 : memref<80x128xf32, #tpu.memory_space<vmem>>) dst(%dma_wait3A_39 : memref<10240x128xf32, #tpu.memory_space<vmem_shared>>)
    %dma_wait3A_40 = arith.constant 0 : i32
    %dma_wait3A_41 = arith.constant 0 : i32
    %dma_wait3A_42 = tpu.memref_slice %arg7[%dma_wait3A_40, %dma_wait3A_41] : memref<10240x128xf32, #tpu.memory_space<vmem_shared>> -> memref<10240x128xf32, #tpu.memory_space<vmem_shared>>
    tpu.wait_indirect_dma semaphore(%arg17 : memref<!tpu.dma_semaphore, #tpu.memory_space<semaphore_mem>>) src(%arg15 : memref<80x128xf32, #tpu.memory_space<vmem>>) dst(%dma_wait3A_42 : memref<10240x128xf32, #tpu.memory_space<vmem_shared>>)
    %barrier3A_43 = arith.constant 0 : index
    tpu.barrier barrier_id(%barrier3A_43)
    %mul3A_44 = arith.constant 640 : i32
    %mul3A_45 = arith.muli %arg1, %mul3A_44 : i32
    %mul3A_46 = arith.constant 640 : i32
    %mul3A_47 = arith.muli %arg1, %mul3A_46 : i32
    "tpu.region"() ({
      %run_scoped3A = tpu.sem_alloc : memref<!tpu.dma_semaphore, #tpu.memory_space<semaphore_mem>>
      %dma_start3A_48 = arith.constant 0 : i32
      %dma_start3A_49 = tpu.memref_slice %arg6[%arg0, %mul3A_47, %dma_start3A_48] : memref<2x10240x128xf32, #tpu.memory_space<hbm>> -> memref<1x640x128xf32, #tpu.memory_space<hbm>>
      %dma_start3A_50 = tpu.memref_squeeze %dma_start3A_49 : memref<1x640x128xf32, #tpu.memory_space<hbm>> -> memref<640x128xf32, #tpu.memory_space<hbm>>
      %dma_start3A_51 = arith.constant 0 : i32
      %dma_start3A_52 = tpu.memref_slice %arg7[%mul3A_45, %dma_start3A_51] : memref<10240x128xf32, #tpu.memory_space<vmem_shared>> -> memref<640x128xf32, #tpu.memory_space<vmem_shared>>
      tpu.enqueue_dma source(%dma_start3A_52 : memref<640x128xf32, #tpu.memory_space<vmem_shared>>) target(%dma_start3A_50 : memref<640x128xf32, #tpu.memory_space<hbm>>) target_semaphore(%run_scoped3A : memref<!tpu.dma_semaphore, #tpu.memory_space<semaphore_mem>>)
      %dma_wait3A_53 = arith.constant 0 : i32
      %dma_wait3A_54 = tpu.memref_slice %arg6[%arg0, %mul3A_47, %dma_wait3A_53] : memref<2x10240x128xf32, #tpu.memory_space<hbm>> -> memref<1x640x128xf32, #tpu.memory_space<hbm>>
      %dma_wait3A_55 = tpu.memref_squeeze %dma_wait3A_54 : memref<1x640x128xf32, #tpu.memory_space<hbm>> -> memref<640x128xf32, #tpu.memory_space<hbm>>
      %dma_wait3A_56 = arith.constant 0 : i32
      %dma_wait3A_57 = tpu.memref_slice %arg7[%mul3A_45, %dma_wait3A_56] : memref<10240x128xf32, #tpu.memory_space<vmem_shared>> -> memref<640x128xf32, #tpu.memory_space<vmem_shared>>
      tpu.wait_dma2 semaphore(%run_scoped3A : memref<!tpu.dma_semaphore, #tpu.memory_space<semaphore_mem>>) src(%dma_wait3A_57 : memref<640x128xf32, #tpu.memory_space<vmem_shared>>) dst(%dma_wait3A_55 : memref<640x128xf32, #tpu.memory_space<hbm>>)
      tpu.yield
    }) : () -> ()
    return
  }
}

#map = affine_map<(d0, d1) -> (0, 0)>
#map1 = affine_map<(d0, d1) -> (0)>
#map2 = affine_map<(d0, d1) -> (0, 0, 0)>
module attributes {stable_mosaic.version = 14 : i64} {
  func.func @_agg_body(%arg0: i32, %arg1: i32, %arg2: memref<10000x128xf32, #tpu.memory_space<hbm>>, %arg3: memref<320000xi32, #tpu.memory_space<hbm>>, %arg4: memref<320000xi32, #tpu.memory_space<hbm>>, %arg5: memref<640x128xf32, #tpu.memory_space<hbm>>, %arg6: memref<2x10240x128xf32, #tpu.memory_space<hbm>>, %arg7: memref<10240x128xf32, #tpu.memory_space<vmem_shared>>, %arg8: memref<80xi32, #tpu.memory_space<vmem>>, %arg9: memref<80xi32, #tpu.memory_space<vmem>>, %arg10: memref<80x128xf32, #tpu.memory_space<vmem>>, %arg11: memref<!tpu.dma_semaphore, #tpu.memory_space<semaphore_mem>>, %arg12: memref<!tpu.dma_semaphore, #tpu.memory_space<semaphore_mem>>, %arg13: memref<80xi32, #tpu.memory_space<vmem>>, %arg14: memref<80xi32, #tpu.memory_space<vmem>>, %arg15: memref<80x128xf32, #tpu.memory_space<vmem>>, %arg16: memref<!tpu.dma_semaphore, #tpu.memory_space<semaphore_mem>>, %arg17: memref<!tpu.dma_semaphore, #tpu.memory_space<semaphore_mem>>, %arg18: memref<80xi32, #tpu.memory_space<vmem>>, %arg19: memref<80xi32, #tpu.memory_space<vmem>>, %arg20: memref<80x128xf32, #tpu.memory_space<vmem>>, %arg21: memref<!tpu.dma_semaphore, #tpu.memory_space<semaphore_mem>>, %arg22: memref<!tpu.dma_semaphore, #tpu.memory_space<semaphore_mem>>) attributes {dimension_semantics = [#tpu.dimension_semantics<core_parallel>, #tpu.dimension_semantics<subcore_parallel>], iteration_bounds = array<i64: 2, 16>, scalar_prefetch = 0 : i64, scratch_operands = 16 : i64, tpu.core_type = #tpu.core_type<sc_vector_subcore>, window_params = [{transform_indices = #map}, {transform_indices = #map1}, {transform_indices = #map1}, {transform_indices = #map}, {transform_indices = #map2}]} {
    %mul3A = arith.constant 2 : i32
    %mul3A_0 = arith.muli %arg1, %mul3A : i32
    %add3A = arith.addi %mul3A_0, %arg0 : i32
    %mul3A_1 = arith.constant 10000 : i32
    %mul3A_2 = arith.muli %add3A, %mul3A_1 : i32
    %mul3A_3 = arith.constant 640 : i32
    %mul3A_4 = arith.muli %arg1, %mul3A_3 : i32
    "tpu.region"() ({
      %run_scoped3A = tpu.sem_alloc : memref<!tpu.dma_semaphore, #tpu.memory_space<semaphore_mem>>
      %dma_start3A_48 = arith.constant 0 : i32
      %dma_start3A_49 = tpu.memref_slice %arg7[%mul3A_4, %dma_start3A_48] : memref<10240x128xf32, #tpu.memory_space<vmem_shared>> -> memref<640x128xf32, #tpu.memory_space<vmem_shared>>
      tpu.enqueue_dma source(%arg5 : memref<640x128xf32, #tpu.memory_space<hbm>>) target(%dma_start3A_49 : memref<640x128xf32, #tpu.memory_space<vmem_shared>>) target_semaphore(%run_scoped3A : memref<!tpu.dma_semaphore, #tpu.memory_space<semaphore_mem>>)
      %dma_wait3A_50 = arith.constant 0 : i32
      %dma_wait3A_51 = tpu.memref_slice %arg7[%mul3A_4, %dma_wait3A_50] : memref<10240x128xf32, #tpu.memory_space<vmem_shared>> -> memref<640x128xf32, #tpu.memory_space<vmem_shared>>
      tpu.wait_dma2 semaphore(%run_scoped3A : memref<!tpu.dma_semaphore, #tpu.memory_space<semaphore_mem>>) src(%arg5 : memref<640x128xf32, #tpu.memory_space<hbm>>) dst(%dma_wait3A_51 : memref<640x128xf32, #tpu.memory_space<vmem_shared>>)
      tpu.yield
    }) : () -> ()
    %barrier3A = arith.constant 0 : index
    tpu.barrier barrier_id(%barrier3A)
    %add3A_5 = arith.constant 0 : i32
    %add3A_6 = arith.addi %mul3A_2, %add3A_5 : i32
    %multiple_of3A = tpu.assume_multiple %add3A_6, 8 : i32
    "tpu.region"() ({
      %run_scoped3A = tpu.sem_alloc : memref<!tpu.dma_semaphore, #tpu.memory_space<semaphore_mem>>
      %dma_start3A_48 = tpu.memref_slice %arg3[%multiple_of3A] : memref<320000xi32, #tpu.memory_space<hbm>> -> memref<80xi32, #tpu.memory_space<hbm>>
      %dma_start3A_49 = tpu.memref_slice %arg3[%multiple_of3A] : memref<320000xi32, #tpu.memory_space<hbm>> -> memref<80xi32, #tpu.memory_space<hbm>>
      tpu.enqueue_dma source(%dma_start3A_49 : memref<80xi32, #tpu.memory_space<hbm>>) target(%arg8 : memref<80xi32, #tpu.memory_space<vmem>>) target_semaphore(%run_scoped3A : memref<!tpu.dma_semaphore, #tpu.memory_space<semaphore_mem>>)
      %dma_wait3A_50 = tpu.memref_slice %arg3[%multiple_of3A] : memref<320000xi32, #tpu.memory_space<hbm>> -> memref<80xi32, #tpu.memory_space<hbm>>
      %dma_wait3A_51 = tpu.memref_slice %arg3[%multiple_of3A] : memref<320000xi32, #tpu.memory_space<hbm>> -> memref<80xi32, #tpu.memory_space<hbm>>
      tpu.wait_dma2 semaphore(%run_scoped3A : memref<!tpu.dma_semaphore, #tpu.memory_space<semaphore_mem>>) src(%dma_wait3A_51 : memref<80xi32, #tpu.memory_space<hbm>>) dst(%arg8 : memref<80xi32, #tpu.memory_space<vmem>>)
      tpu.yield
    }) : () -> ()
    "tpu.region"() ({
      %run_scoped3A = tpu.sem_alloc : memref<!tpu.dma_semaphore, #tpu.memory_space<semaphore_mem>>
      %dma_start3A_48 = tpu.memref_slice %arg4[%multiple_of3A] : memref<320000xi32, #tpu.memory_space<hbm>> -> memref<80xi32, #tpu.memory_space<hbm>>
      %dma_start3A_49 = tpu.memref_slice %arg4[%multiple_of3A] : memref<320000xi32, #tpu.memory_space<hbm>> -> memref<80xi32, #tpu.memory_space<hbm>>
      tpu.enqueue_dma source(%dma_start3A_49 : memref<80xi32, #tpu.memory_space<hbm>>) target(%arg9 : memref<80xi32, #tpu.memory_space<vmem>>) target_semaphore(%run_scoped3A : memref<!tpu.dma_semaphore, #tpu.memory_space<semaphore_mem>>)
      %dma_wait3A_50 = tpu.memref_slice %arg4[%multiple_of3A] : memref<320000xi32, #tpu.memory_space<hbm>> -> memref<80xi32, #tpu.memory_space<hbm>>
      %dma_wait3A_51 = tpu.memref_slice %arg4[%multiple_of3A] : memref<320000xi32, #tpu.memory_space<hbm>> -> memref<80xi32, #tpu.memory_space<hbm>>
      tpu.wait_dma2 semaphore(%run_scoped3A : memref<!tpu.dma_semaphore, #tpu.memory_space<semaphore_mem>>) src(%dma_wait3A_51 : memref<80xi32, #tpu.memory_space<hbm>>) dst(%arg9 : memref<80xi32, #tpu.memory_space<vmem>>)
      tpu.yield
    }) : () -> ()
    %dma_start3A = arith.constant 0 : i32
    %dma_start3A_7 = arith.constant 0 : i32
    %dma_start3A_8 = tpu.memref_slice %arg2[%dma_start3A, %dma_start3A_7] : memref<10000x128xf32, #tpu.memory_space<hbm>> -> memref<10000x128xf32, #tpu.memory_space<hbm>>
    tpu.enqueue_indirect_dma source(%dma_start3A_8 : memref<10000x128xf32, #tpu.memory_space<hbm>>) target(%arg10 : memref<80x128xf32, #tpu.memory_space<vmem>>) offsets(%arg8 : memref<80xi32, #tpu.memory_space<vmem>>) semaphore(%arg11 : memref<!tpu.dma_semaphore, #tpu.memory_space<semaphore_mem>>)
    %add3A_9 = arith.constant 80 : i32
    %add3A_10 = arith.addi %mul3A_2, %add3A_9 : i32
    %multiple_of3A_11 = tpu.assume_multiple %add3A_10, 8 : i32
    "tpu.region"() ({
      %run_scoped3A = tpu.sem_alloc : memref<!tpu.dma_semaphore, #tpu.memory_space<semaphore_mem>>
      %dma_start3A_48 = tpu.memref_slice %arg3[%multiple_of3A_11] : memref<320000xi32, #tpu.memory_space<hbm>> -> memref<80xi32, #tpu.memory_space<hbm>>
      %dma_start3A_49 = tpu.memref_slice %arg3[%multiple_of3A_11] : memref<320000xi32, #tpu.memory_space<hbm>> -> memref<80xi32, #tpu.memory_space<hbm>>
      tpu.enqueue_dma source(%dma_start3A_49 : memref<80xi32, #tpu.memory_space<hbm>>) target(%arg13 : memref<80xi32, #tpu.memory_space<vmem>>) target_semaphore(%run_scoped3A : memref<!tpu.dma_semaphore, #tpu.memory_space<semaphore_mem>>)
      %dma_wait3A_50 = tpu.memref_slice %arg3[%multiple_of3A_11] : memref<320000xi32, #tpu.memory_space<hbm>> -> memref<80xi32, #tpu.memory_space<hbm>>
      %dma_wait3A_51 = tpu.memref_slice %arg3[%multiple_of3A_11] : memref<320000xi32, #tpu.memory_space<hbm>> -> memref<80xi32, #tpu.memory_space<hbm>>
      tpu.wait_dma2 semaphore(%run_scoped3A : memref<!tpu.dma_semaphore, #tpu.memory_space<semaphore_mem>>) src(%dma_wait3A_51 : memref<80xi32, #tpu.memory_space<hbm>>) dst(%arg13 : memref<80xi32, #tpu.memory_space<vmem>>)
      tpu.yield
    }) : () -> ()
    "tpu.region"() ({
      %run_scoped3A = tpu.sem_alloc : memref<!tpu.dma_semaphore, #tpu.memory_space<semaphore_mem>>
      %dma_start3A_48 = tpu.memref_slice %arg4[%multiple_of3A_11] : memref<320000xi32, #tpu.memory_space<hbm>> -> memref<80xi32, #tpu.memory_space<hbm>>
      %dma_start3A_49 = tpu.memref_slice %arg4[%multiple_of3A_11] : memref<320000xi32, #tpu.memory_space<hbm>> -> memref<80xi32, #tpu.memory_space<hbm>>
      tpu.enqueue_dma source(%dma_start3A_49 : memref<80xi32, #tpu.memory_space<hbm>>) target(%arg14 : memref<80xi32, #tpu.memory_space<vmem>>) target_semaphore(%run_scoped3A : memref<!tpu.dma_semaphore, #tpu.memory_space<semaphore_mem>>)
      %dma_wait3A_50 = tpu.memref_slice %arg4[%multiple_of3A_11] : memref<320000xi32, #tpu.memory_space<hbm>> -> memref<80xi32, #tpu.memory_space<hbm>>
      %dma_wait3A_51 = tpu.memref_slice %arg4[%multiple_of3A_11] : memref<320000xi32, #tpu.memory_space<hbm>> -> memref<80xi32, #tpu.memory_space<hbm>>
      tpu.wait_dma2 semaphore(%run_scoped3A : memref<!tpu.dma_semaphore, #tpu.memory_space<semaphore_mem>>) src(%dma_wait3A_51 : memref<80xi32, #tpu.memory_space<hbm>>) dst(%arg14 : memref<80xi32, #tpu.memory_space<vmem>>)
      tpu.yield
    }) : () -> ()
    %dma_start3A_12 = arith.constant 0 : i32
    %dma_start3A_13 = arith.constant 0 : i32
    %dma_start3A_14 = tpu.memref_slice %arg2[%dma_start3A_12, %dma_start3A_13] : memref<10000x128xf32, #tpu.memory_space<hbm>> -> memref<10000x128xf32, #tpu.memory_space<hbm>>
    tpu.enqueue_indirect_dma source(%dma_start3A_14 : memref<10000x128xf32, #tpu.memory_space<hbm>>) target(%arg15 : memref<80x128xf32, #tpu.memory_space<vmem>>) offsets(%arg13 : memref<80xi32, #tpu.memory_space<vmem>>) semaphore(%arg16 : memref<!tpu.dma_semaphore, #tpu.memory_space<semaphore_mem>>)
    %dma_wait3A = arith.constant 0 : i32
    %dma_wait3A_15 = arith.constant 0 : i32
    %dma_wait3A_16 = tpu.memref_slice %arg2[%dma_wait3A, %dma_wait3A_15] : memref<10000x128xf32, #tpu.memory_space<hbm>> -> memref<10000x128xf32, #tpu.memory_space<hbm>>
    tpu.wait_indirect_dma semaphore(%arg11 : memref<!tpu.dma_semaphore, #tpu.memory_space<semaphore_mem>>) src(%dma_wait3A_16 : memref<10000x128xf32, #tpu.memory_space<hbm>>) dst(%arg10 : memref<80x128xf32, #tpu.memory_space<vmem>>)
    %dma_start3A_17 = arith.constant 0 : i32
    %dma_start3A_18 = arith.constant 0 : i32
    %dma_start3A_19 = tpu.memref_slice %arg7[%dma_start3A_17, %dma_start3A_18] : memref<10240x128xf32, #tpu.memory_space<vmem_shared>> -> memref<10240x128xf32, #tpu.memory_space<vmem_shared>>
    tpu.enqueue_indirect_dma source(%arg10 : memref<80x128xf32, #tpu.memory_space<vmem>>) target(%dma_start3A_19 : memref<10240x128xf32, #tpu.memory_space<vmem_shared>>) offsets(%arg9 : memref<80xi32, #tpu.memory_space<vmem>>) semaphore(%arg12 : memref<!tpu.dma_semaphore, #tpu.memory_space<semaphore_mem>>) {add = true}
    %add3A_20 = arith.constant 160 : i32
    %add3A_21 = arith.addi %mul3A_2, %add3A_20 : i32
    %multiple_of3A_22 = tpu.assume_multiple %add3A_21, 8 : i32
    "tpu.region"() ({
      %run_scoped3A = tpu.sem_alloc : memref<!tpu.dma_semaphore, #tpu.memory_space<semaphore_mem>>
      %dma_start3A_48 = tpu.memref_slice %arg3[%multiple_of3A_22] : memref<320000xi32, #tpu.memory_space<hbm>> -> memref<80xi32, #tpu.memory_space<hbm>>
      %dma_start3A_49 = tpu.memref_slice %arg3[%multiple_of3A_22] : memref<320000xi32, #tpu.memory_space<hbm>> -> memref<80xi32, #tpu.memory_space<hbm>>
      tpu.enqueue_dma source(%dma_start3A_49 : memref<80xi32, #tpu.memory_space<hbm>>) target(%arg18 : memref<80xi32, #tpu.memory_space<vmem>>) target_semaphore(%run_scoped3A : memref<!tpu.dma_semaphore, #tpu.memory_space<semaphore_mem>>)
      %dma_wait3A_50 = tpu.memref_slice %arg3[%multiple_of3A_22] : memref<320000xi32, #tpu.memory_space<hbm>> -> memref<80xi32, #tpu.memory_space<hbm>>
      %dma_wait3A_51 = tpu.memref_slice %arg3[%multiple_of3A_22] : memref<320000xi32, #tpu.memory_space<hbm>> -> memref<80xi32, #tpu.memory_space<hbm>>
      tpu.wait_dma2 semaphore(%run_scoped3A : memref<!tpu.dma_semaphore, #tpu.memory_space<semaphore_mem>>) src(%dma_wait3A_51 : memref<80xi32, #tpu.memory_space<hbm>>) dst(%arg18 : memref<80xi32, #tpu.memory_space<vmem>>)
      tpu.yield
    }) : () -> ()
    "tpu.region"() ({
      %run_scoped3A = tpu.sem_alloc : memref<!tpu.dma_semaphore, #tpu.memory_space<semaphore_mem>>
      %dma_start3A_48 = tpu.memref_slice %arg4[%multiple_of3A_22] : memref<320000xi32, #tpu.memory_space<hbm>> -> memref<80xi32, #tpu.memory_space<hbm>>
      %dma_start3A_49 = tpu.memref_slice %arg4[%multiple_of3A_22] : memref<320000xi32, #tpu.memory_space<hbm>> -> memref<80xi32, #tpu.memory_space<hbm>>
      tpu.enqueue_dma source(%dma_start3A_49 : memref<80xi32, #tpu.memory_space<hbm>>) target(%arg19 : memref<80xi32, #tpu.memory_space<vmem>>) target_semaphore(%run_scoped3A : memref<!tpu.dma_semaphore, #tpu.memory_space<semaphore_mem>>)
      %dma_wait3A_50 = tpu.memref_slice %arg4[%multiple_of3A_22] : memref<320000xi32, #tpu.memory_space<hbm>> -> memref<80xi32, #tpu.memory_space<hbm>>
      %dma_wait3A_51 = tpu.memref_slice %arg4[%multiple_of3A_22] : memref<320000xi32, #tpu.memory_space<hbm>> -> memref<80xi32, #tpu.memory_space<hbm>>
      tpu.wait_dma2 semaphore(%run_scoped3A : memref<!tpu.dma_semaphore, #tpu.memory_space<semaphore_mem>>) src(%dma_wait3A_51 : memref<80xi32, #tpu.memory_space<hbm>>) dst(%arg19 : memref<80xi32, #tpu.memory_space<vmem>>)
      tpu.yield
    }) : () -> ()
    %dma_start3A_23 = arith.constant 0 : i32
    %dma_start3A_24 = arith.constant 0 : i32
    %dma_start3A_25 = tpu.memref_slice %arg2[%dma_start3A_23, %dma_start3A_24] : memref<10000x128xf32, #tpu.memory_space<hbm>> -> memref<10000x128xf32, #tpu.memory_space<hbm>>
    tpu.enqueue_indirect_dma source(%dma_start3A_25 : memref<10000x128xf32, #tpu.memory_space<hbm>>) target(%arg20 : memref<80x128xf32, #tpu.memory_space<vmem>>) offsets(%arg18 : memref<80xi32, #tpu.memory_space<vmem>>) semaphore(%arg21 : memref<!tpu.dma_semaphore, #tpu.memory_space<semaphore_mem>>)
    %scan3A = arith.constant 0 : i32
    %scan3A_26 = arith.constant 0 : i32
    %scan3A_27 = arith.constant 41 : i32
    %scan3A_28 = arith.addi %scan3A_26, %scan3A_27 : i32
    %scan3A_29 = arith.constant 1 : i32
    scf.for %scan3A_48 = %scan3A_26 to %scan3A_28 step %scan3A_29  : i32 {
      %mul3A_49 = arith.constant 3 : i32
      %mul3A_50 = arith.muli %mul3A_49, %scan3A_48 : i32
      %add3A_51 = arith.constant 1 : i32
      %add3A_52 = arith.addi %mul3A_50, %add3A_51 : i32
      %add3A_53 = arith.constant 0 : i32
      %add3A_54 = arith.addi %add3A_52, %add3A_53 : i32
      %dma_wait3A_55 = arith.constant 0 : i32
      %dma_wait3A_56 = arith.constant 0 : i32
      %dma_wait3A_57 = tpu.memref_slice %arg2[%dma_wait3A_55, %dma_wait3A_56] : memref<10000x128xf32, #tpu.memory_space<hbm>> -> memref<10000x128xf32, #tpu.memory_space<hbm>>
      tpu.wait_indirect_dma semaphore(%arg16 : memref<!tpu.dma_semaphore, #tpu.memory_space<semaphore_mem>>) src(%dma_wait3A_57 : memref<10000x128xf32, #tpu.memory_space<hbm>>) dst(%arg15 : memref<80x128xf32, #tpu.memory_space<vmem>>)
      %dma_start3A_58 = arith.constant 0 : i32
      %dma_start3A_59 = arith.constant 0 : i32
      %dma_start3A_60 = tpu.memref_slice %arg7[%dma_start3A_58, %dma_start3A_59] : memref<10240x128xf32, #tpu.memory_space<vmem_shared>> -> memref<10240x128xf32, #tpu.memory_space<vmem_shared>>
      tpu.enqueue_indirect_dma source(%arg15 : memref<80x128xf32, #tpu.memory_space<vmem>>) target(%dma_start3A_60 : memref<10240x128xf32, #tpu.memory_space<vmem_shared>>) offsets(%arg14 : memref<80xi32, #tpu.memory_space<vmem>>) semaphore(%arg17 : memref<!tpu.dma_semaphore, #tpu.memory_space<semaphore_mem>>) {add = true}
      %dma_wait3A_61 = arith.constant 0 : i32
      %dma_wait3A_62 = arith.constant 0 : i32
      %dma_wait3A_63 = tpu.memref_slice %arg7[%dma_wait3A_61, %dma_wait3A_62] : memref<10240x128xf32, #tpu.memory_space<vmem_shared>> -> memref<10240x128xf32, #tpu.memory_space<vmem_shared>>
      tpu.wait_indirect_dma semaphore(%arg12 : memref<!tpu.dma_semaphore, #tpu.memory_space<semaphore_mem>>) src(%arg10 : memref<80x128xf32, #tpu.memory_space<vmem>>) dst(%dma_wait3A_63 : memref<10240x128xf32, #tpu.memory_space<vmem_shared>>)
      %add3A_64 = arith.constant 2 : i32
      %add3A_65 = arith.addi %add3A_54, %add3A_64 : i32
      %lt3A = arith.constant 125 : i32
      %lt3A_66 = arith.cmpi slt, %add3A_65, %lt3A : i32
      %convert_element_type3A = arith.extui %lt3A_66 : i1 to i32
      %cond3A = arith.constant 0 : i32
      %cond3A_67 = arith.cmpi ne, %convert_element_type3A, %cond3A : i32
      scf.if %cond3A_67 {
        %add3A_104 = arith.constant 2 : i32
        %add3A_105 = arith.addi %add3A_54, %add3A_104 : i32
        %mul3A_106 = arith.constant 80 : i32
        %mul3A_107 = arith.muli %add3A_105, %mul3A_106 : i32
        %add3A_108 = arith.addi %mul3A_2, %mul3A_107 : i32
        %multiple_of3A_109 = tpu.assume_multiple %add3A_108, 8 : i32
        "tpu.region"() ({
          %run_scoped3A = tpu.sem_alloc : memref<!tpu.dma_semaphore, #tpu.memory_space<semaphore_mem>>
          %dma_start3A_113 = tpu.memref_slice %arg3[%multiple_of3A_109] : memref<320000xi32, #tpu.memory_space<hbm>> -> memref<80xi32, #tpu.memory_space<hbm>>
          %dma_start3A_114 = tpu.memref_slice %arg3[%multiple_of3A_109] : memref<320000xi32, #tpu.memory_space<hbm>> -> memref<80xi32, #tpu.memory_space<hbm>>
          tpu.enqueue_dma source(%dma_start3A_114 : memref<80xi32, #tpu.memory_space<hbm>>) target(%arg8 : memref<80xi32, #tpu.memory_space<vmem>>) target_semaphore(%run_scoped3A : memref<!tpu.dma_semaphore, #tpu.memory_space<semaphore_mem>>)
          %dma_wait3A_115 = tpu.memref_slice %arg3[%multiple_of3A_109] : memref<320000xi32, #tpu.memory_space<hbm>> -> memref<80xi32, #tpu.memory_space<hbm>>
          %dma_wait3A_116 = tpu.memref_slice %arg3[%multiple_of3A_109] : memref<320000xi32, #tpu.memory_space<hbm>> -> memref<80xi32, #tpu.memory_space<hbm>>
          tpu.wait_dma2 semaphore(%run_scoped3A : memref<!tpu.dma_semaphore, #tpu.memory_space<semaphore_mem>>) src(%dma_wait3A_116 : memref<80xi32, #tpu.memory_space<hbm>>) dst(%arg8 : memref<80xi32, #tpu.memory_space<vmem>>)
          tpu.yield
        }) : () -> ()
        "tpu.region"() ({
          %run_scoped3A = tpu.sem_alloc : memref<!tpu.dma_semaphore, #tpu.memory_space<semaphore_mem>>
          %dma_start3A_113 = tpu.memref_slice %arg4[%multiple_of3A_109] : memref<320000xi32, #tpu.memory_space<hbm>> -> memref<80xi32, #tpu.memory_space<hbm>>
          %dma_start3A_114 = tpu.memref_slice %arg4[%multiple_of3A_109] : memref<320000xi32, #tpu.memory_space<hbm>> -> memref<80xi32, #tpu.memory_space<hbm>>
          tpu.enqueue_dma source(%dma_start3A_114 : memref<80xi32, #tpu.memory_space<hbm>>) target(%arg9 : memref<80xi32, #tpu.memory_space<vmem>>) target_semaphore(%run_scoped3A : memref<!tpu.dma_semaphore, #tpu.memory_space<semaphore_mem>>)
          %dma_wait3A_115 = tpu.memref_slice %arg4[%multiple_of3A_109] : memref<320000xi32, #tpu.memory_space<hbm>> -> memref<80xi32, #tpu.memory_space<hbm>>
          %dma_wait3A_116 = tpu.memref_slice %arg4[%multiple_of3A_109] : memref<320000xi32, #tpu.memory_space<hbm>> -> memref<80xi32, #tpu.memory_space<hbm>>
          tpu.wait_dma2 semaphore(%run_scoped3A : memref<!tpu.dma_semaphore, #tpu.memory_space<semaphore_mem>>) src(%dma_wait3A_116 : memref<80xi32, #tpu.memory_space<hbm>>) dst(%arg9 : memref<80xi32, #tpu.memory_space<vmem>>)
          tpu.yield
        }) : () -> ()
        %dma_start3A_110 = arith.constant 0 : i32
        %dma_start3A_111 = arith.constant 0 : i32
        %dma_start3A_112 = tpu.memref_slice %arg2[%dma_start3A_110, %dma_start3A_111] : memref<10000x128xf32, #tpu.memory_space<hbm>> -> memref<10000x128xf32, #tpu.memory_space<hbm>>
        tpu.enqueue_indirect_dma source(%dma_start3A_112 : memref<10000x128xf32, #tpu.memory_space<hbm>>) target(%arg10 : memref<80x128xf32, #tpu.memory_space<vmem>>) offsets(%arg8 : memref<80xi32, #tpu.memory_space<vmem>>) semaphore(%arg11 : memref<!tpu.dma_semaphore, #tpu.memory_space<semaphore_mem>>)
      } else {
      }
      %add3A_68 = arith.constant 1 : i32
      %add3A_69 = arith.addi %add3A_52, %add3A_68 : i32
      %dma_wait3A_70 = arith.constant 0 : i32
      %dma_wait3A_71 = arith.constant 0 : i32
      %dma_wait3A_72 = tpu.memref_slice %arg2[%dma_wait3A_70, %dma_wait3A_71] : memref<10000x128xf32, #tpu.memory_space<hbm>> -> memref<10000x128xf32, #tpu.memory_space<hbm>>
      tpu.wait_indirect_dma semaphore(%arg21 : memref<!tpu.dma_semaphore, #tpu.memory_space<semaphore_mem>>) src(%dma_wait3A_72 : memref<10000x128xf32, #tpu.memory_space<hbm>>) dst(%arg20 : memref<80x128xf32, #tpu.memory_space<vmem>>)
      %dma_start3A_73 = arith.constant 0 : i32
      %dma_start3A_74 = arith.constant 0 : i32
      %dma_start3A_75 = tpu.memref_slice %arg7[%dma_start3A_73, %dma_start3A_74] : memref<10240x128xf32, #tpu.memory_space<vmem_shared>> -> memref<10240x128xf32, #tpu.memory_space<vmem_shared>>
      tpu.enqueue_indirect_dma source(%arg20 : memref<80x128xf32, #tpu.memory_space<vmem>>) target(%dma_start3A_75 : memref<10240x128xf32, #tpu.memory_space<vmem_shared>>) offsets(%arg19 : memref<80xi32, #tpu.memory_space<vmem>>) semaphore(%arg22 : memref<!tpu.dma_semaphore, #tpu.memory_space<semaphore_mem>>) {add = true}
      %dma_wait3A_76 = arith.constant 0 : i32
      %dma_wait3A_77 = arith.constant 0 : i32
      %dma_wait3A_78 = tpu.memref_slice %arg7[%dma_wait3A_76, %dma_wait3A_77] : memref<10240x128xf32, #tpu.memory_space<vmem_shared>> -> memref<10240x128xf32, #tpu.memory_space<vmem_shared>>
      tpu.wait_indirect_dma semaphore(%arg17 : memref<!tpu.dma_semaphore, #tpu.memory_space<semaphore_mem>>) src(%arg15 : memref<80x128xf32, #tpu.memory_space<vmem>>) dst(%dma_wait3A_78 : memref<10240x128xf32, #tpu.memory_space<vmem_shared>>)
      %add3A_79 = arith.constant 2 : i32
      %add3A_80 = arith.addi %add3A_69, %add3A_79 : i32
      %lt3A_81 = arith.constant 125 : i32
      %lt3A_82 = arith.cmpi slt, %add3A_80, %lt3A_81 : i32
      %convert_element_type3A_83 = arith.extui %lt3A_82 : i1 to i32
      %cond3A_84 = arith.constant 0 : i32
      %cond3A_85 = arith.cmpi ne, %convert_element_type3A_83, %cond3A_84 : i32
      scf.if %cond3A_85 {
        %add3A_104 = arith.constant 2 : i32
        %add3A_105 = arith.addi %add3A_69, %add3A_104 : i32
        %mul3A_106 = arith.constant 80 : i32
        %mul3A_107 = arith.muli %add3A_105, %mul3A_106 : i32
        %add3A_108 = arith.addi %mul3A_2, %mul3A_107 : i32
        %multiple_of3A_109 = tpu.assume_multiple %add3A_108, 8 : i32
        "tpu.region"() ({
          %run_scoped3A = tpu.sem_alloc : memref<!tpu.dma_semaphore, #tpu.memory_space<semaphore_mem>>
          %dma_start3A_113 = tpu.memref_slice %arg3[%multiple_of3A_109] : memref<320000xi32, #tpu.memory_space<hbm>> -> memref<80xi32, #tpu.memory_space<hbm>>
          %dma_start3A_114 = tpu.memref_slice %arg3[%multiple_of3A_109] : memref<320000xi32, #tpu.memory_space<hbm>> -> memref<80xi32, #tpu.memory_space<hbm>>
          tpu.enqueue_dma source(%dma_start3A_114 : memref<80xi32, #tpu.memory_space<hbm>>) target(%arg13 : memref<80xi32, #tpu.memory_space<vmem>>) target_semaphore(%run_scoped3A : memref<!tpu.dma_semaphore, #tpu.memory_space<semaphore_mem>>)
          %dma_wait3A_115 = tpu.memref_slice %arg3[%multiple_of3A_109] : memref<320000xi32, #tpu.memory_space<hbm>> -> memref<80xi32, #tpu.memory_space<hbm>>
          %dma_wait3A_116 = tpu.memref_slice %arg3[%multiple_of3A_109] : memref<320000xi32, #tpu.memory_space<hbm>> -> memref<80xi32, #tpu.memory_space<hbm>>
          tpu.wait_dma2 semaphore(%run_scoped3A : memref<!tpu.dma_semaphore, #tpu.memory_space<semaphore_mem>>) src(%dma_wait3A_116 : memref<80xi32, #tpu.memory_space<hbm>>) dst(%arg13 : memref<80xi32, #tpu.memory_space<vmem>>)
          tpu.yield
        }) : () -> ()
        "tpu.region"() ({
          %run_scoped3A = tpu.sem_alloc : memref<!tpu.dma_semaphore, #tpu.memory_space<semaphore_mem>>
          %dma_start3A_113 = tpu.memref_slice %arg4[%multiple_of3A_109] : memref<320000xi32, #tpu.memory_space<hbm>> -> memref<80xi32, #tpu.memory_space<hbm>>
          %dma_start3A_114 = tpu.memref_slice %arg4[%multiple_of3A_109] : memref<320000xi32, #tpu.memory_space<hbm>> -> memref<80xi32, #tpu.memory_space<hbm>>
          tpu.enqueue_dma source(%dma_start3A_114 : memref<80xi32, #tpu.memory_space<hbm>>) target(%arg14 : memref<80xi32, #tpu.memory_space<vmem>>) target_semaphore(%run_scoped3A : memref<!tpu.dma_semaphore, #tpu.memory_space<semaphore_mem>>)
          %dma_wait3A_115 = tpu.memref_slice %arg4[%multiple_of3A_109] : memref<320000xi32, #tpu.memory_space<hbm>> -> memref<80xi32, #tpu.memory_space<hbm>>
          %dma_wait3A_116 = tpu.memref_slice %arg4[%multiple_of3A_109] : memref<320000xi32, #tpu.memory_space<hbm>> -> memref<80xi32, #tpu.memory_space<hbm>>
          tpu.wait_dma2 semaphore(%run_scoped3A : memref<!tpu.dma_semaphore, #tpu.memory_space<semaphore_mem>>) src(%dma_wait3A_116 : memref<80xi32, #tpu.memory_space<hbm>>) dst(%arg14 : memref<80xi32, #tpu.memory_space<vmem>>)
          tpu.yield
        }) : () -> ()
        %dma_start3A_110 = arith.constant 0 : i32
        %dma_start3A_111 = arith.constant 0 : i32
        %dma_start3A_112 = tpu.memref_slice %arg2[%dma_start3A_110, %dma_start3A_111] : memref<10000x128xf32, #tpu.memory_space<hbm>> -> memref<10000x128xf32, #tpu.memory_space<hbm>>
        tpu.enqueue_indirect_dma source(%dma_start3A_112 : memref<10000x128xf32, #tpu.memory_space<hbm>>) target(%arg15 : memref<80x128xf32, #tpu.memory_space<vmem>>) offsets(%arg13 : memref<80xi32, #tpu.memory_space<vmem>>) semaphore(%arg16 : memref<!tpu.dma_semaphore, #tpu.memory_space<semaphore_mem>>)
      } else {
      }
      %add3A_86 = arith.constant 2 : i32
      %add3A_87 = arith.addi %add3A_52, %add3A_86 : i32
      %dma_wait3A_88 = arith.constant 0 : i32
      %dma_wait3A_89 = arith.constant 0 : i32
      %dma_wait3A_90 = tpu.memref_slice %arg2[%dma_wait3A_88, %dma_wait3A_89] : memref<10000x128xf32, #tpu.memory_space<hbm>> -> memref<10000x128xf32, #tpu.memory_space<hbm>>
      tpu.wait_indirect_dma semaphore(%arg11 : memref<!tpu.dma_semaphore, #tpu.memory_space<semaphore_mem>>) src(%dma_wait3A_90 : memref<10000x128xf32, #tpu.memory_space<hbm>>) dst(%arg10 : memref<80x128xf32, #tpu.memory_space<vmem>>)
      %dma_start3A_91 = arith.constant 0 : i32
      %dma_start3A_92 = arith.constant 0 : i32
      %dma_start3A_93 = tpu.memref_slice %arg7[%dma_start3A_91, %dma_start3A_92] : memref<10240x128xf32, #tpu.memory_space<vmem_shared>> -> memref<10240x128xf32, #tpu.memory_space<vmem_shared>>
      tpu.enqueue_indirect_dma source(%arg10 : memref<80x128xf32, #tpu.memory_space<vmem>>) target(%dma_start3A_93 : memref<10240x128xf32, #tpu.memory_space<vmem_shared>>) offsets(%arg9 : memref<80xi32, #tpu.memory_space<vmem>>) semaphore(%arg12 : memref<!tpu.dma_semaphore, #tpu.memory_space<semaphore_mem>>) {add = true}
      %dma_wait3A_94 = arith.constant 0 : i32
      %dma_wait3A_95 = arith.constant 0 : i32
      %dma_wait3A_96 = tpu.memref_slice %arg7[%dma_wait3A_94, %dma_wait3A_95] : memref<10240x128xf32, #tpu.memory_space<vmem_shared>> -> memref<10240x128xf32, #tpu.memory_space<vmem_shared>>
      tpu.wait_indirect_dma semaphore(%arg22 : memref<!tpu.dma_semaphore, #tpu.memory_space<semaphore_mem>>) src(%arg20 : memref<80x128xf32, #tpu.memory_space<vmem>>) dst(%dma_wait3A_96 : memref<10240x128xf32, #tpu.memory_space<vmem_shared>>)
      %add3A_97 = arith.constant 2 : i32
      %add3A_98 = arith.addi %add3A_87, %add3A_97 : i32
      %lt3A_99 = arith.constant 125 : i32
      %lt3A_100 = arith.cmpi slt, %add3A_98, %lt3A_99 : i32
      %convert_element_type3A_101 = arith.extui %lt3A_100 : i1 to i32
      %cond3A_102 = arith.constant 0 : i32
      %cond3A_103 = arith.cmpi ne, %convert_element_type3A_101, %cond3A_102 : i32
      scf.if %cond3A_103 {
        %add3A_104 = arith.constant 2 : i32
        %add3A_105 = arith.addi %add3A_87, %add3A_104 : i32
        %mul3A_106 = arith.constant 80 : i32
        %mul3A_107 = arith.muli %add3A_105, %mul3A_106 : i32
        %add3A_108 = arith.addi %mul3A_2, %mul3A_107 : i32
        %multiple_of3A_109 = tpu.assume_multiple %add3A_108, 8 : i32
        "tpu.region"() ({
          %run_scoped3A = tpu.sem_alloc : memref<!tpu.dma_semaphore, #tpu.memory_space<semaphore_mem>>
          %dma_start3A_113 = tpu.memref_slice %arg3[%multiple_of3A_109] : memref<320000xi32, #tpu.memory_space<hbm>> -> memref<80xi32, #tpu.memory_space<hbm>>
          %dma_start3A_114 = tpu.memref_slice %arg3[%multiple_of3A_109] : memref<320000xi32, #tpu.memory_space<hbm>> -> memref<80xi32, #tpu.memory_space<hbm>>
          tpu.enqueue_dma source(%dma_start3A_114 : memref<80xi32, #tpu.memory_space<hbm>>) target(%arg18 : memref<80xi32, #tpu.memory_space<vmem>>) target_semaphore(%run_scoped3A : memref<!tpu.dma_semaphore, #tpu.memory_space<semaphore_mem>>)
          %dma_wait3A_115 = tpu.memref_slice %arg3[%multiple_of3A_109] : memref<320000xi32, #tpu.memory_space<hbm>> -> memref<80xi32, #tpu.memory_space<hbm>>
          %dma_wait3A_116 = tpu.memref_slice %arg3[%multiple_of3A_109] : memref<320000xi32, #tpu.memory_space<hbm>> -> memref<80xi32, #tpu.memory_space<hbm>>
          tpu.wait_dma2 semaphore(%run_scoped3A : memref<!tpu.dma_semaphore, #tpu.memory_space<semaphore_mem>>) src(%dma_wait3A_116 : memref<80xi32, #tpu.memory_space<hbm>>) dst(%arg18 : memref<80xi32, #tpu.memory_space<vmem>>)
          tpu.yield
        }) : () -> ()
        "tpu.region"() ({
          %run_scoped3A = tpu.sem_alloc : memref<!tpu.dma_semaphore, #tpu.memory_space<semaphore_mem>>
          %dma_start3A_113 = tpu.memref_slice %arg4[%multiple_of3A_109] : memref<320000xi32, #tpu.memory_space<hbm>> -> memref<80xi32, #tpu.memory_space<hbm>>
          %dma_start3A_114 = tpu.memref_slice %arg4[%multiple_of3A_109] : memref<320000xi32, #tpu.memory_space<hbm>> -> memref<80xi32, #tpu.memory_space<hbm>>
          tpu.enqueue_dma source(%dma_start3A_114 : memref<80xi32, #tpu.memory_space<hbm>>) target(%arg19 : memref<80xi32, #tpu.memory_space<vmem>>) target_semaphore(%run_scoped3A : memref<!tpu.dma_semaphore, #tpu.memory_space<semaphore_mem>>)
          %dma_wait3A_115 = tpu.memref_slice %arg4[%multiple_of3A_109] : memref<320000xi32, #tpu.memory_space<hbm>> -> memref<80xi32, #tpu.memory_space<hbm>>
          %dma_wait3A_116 = tpu.memref_slice %arg4[%multiple_of3A_109] : memref<320000xi32, #tpu.memory_space<hbm>> -> memref<80xi32, #tpu.memory_space<hbm>>
          tpu.wait_dma2 semaphore(%run_scoped3A : memref<!tpu.dma_semaphore, #tpu.memory_space<semaphore_mem>>) src(%dma_wait3A_116 : memref<80xi32, #tpu.memory_space<hbm>>) dst(%arg19 : memref<80xi32, #tpu.memory_space<vmem>>)
          tpu.yield
        }) : () -> ()
        %dma_start3A_110 = arith.constant 0 : i32
        %dma_start3A_111 = arith.constant 0 : i32
        %dma_start3A_112 = tpu.memref_slice %arg2[%dma_start3A_110, %dma_start3A_111] : memref<10000x128xf32, #tpu.memory_space<hbm>> -> memref<10000x128xf32, #tpu.memory_space<hbm>>
        tpu.enqueue_indirect_dma source(%dma_start3A_112 : memref<10000x128xf32, #tpu.memory_space<hbm>>) target(%arg20 : memref<80x128xf32, #tpu.memory_space<vmem>>) offsets(%arg18 : memref<80xi32, #tpu.memory_space<vmem>>) semaphore(%arg21 : memref<!tpu.dma_semaphore, #tpu.memory_space<semaphore_mem>>)
      } else {
      }
    }
    %scan3A_30 = arith.constant 41 : i32
    %dma_wait3A_31 = arith.constant 0 : i32
    %dma_wait3A_32 = arith.constant 0 : i32
    %dma_wait3A_33 = tpu.memref_slice %arg2[%dma_wait3A_31, %dma_wait3A_32] : memref<10000x128xf32, #tpu.memory_space<hbm>> -> memref<10000x128xf32, #tpu.memory_space<hbm>>
    tpu.wait_indirect_dma semaphore(%arg16 : memref<!tpu.dma_semaphore, #tpu.memory_space<semaphore_mem>>) src(%dma_wait3A_33 : memref<10000x128xf32, #tpu.memory_space<hbm>>) dst(%arg15 : memref<80x128xf32, #tpu.memory_space<vmem>>)
    %dma_start3A_34 = arith.constant 0 : i32
    %dma_start3A_35 = arith.constant 0 : i32
    %dma_start3A_36 = tpu.memref_slice %arg7[%dma_start3A_34, %dma_start3A_35] : memref<10240x128xf32, #tpu.memory_space<vmem_shared>> -> memref<10240x128xf32, #tpu.memory_space<vmem_shared>>
    tpu.enqueue_indirect_dma source(%arg15 : memref<80x128xf32, #tpu.memory_space<vmem>>) target(%dma_start3A_36 : memref<10240x128xf32, #tpu.memory_space<vmem_shared>>) offsets(%arg14 : memref<80xi32, #tpu.memory_space<vmem>>) semaphore(%arg17 : memref<!tpu.dma_semaphore, #tpu.memory_space<semaphore_mem>>) {add = true}
    %dma_wait3A_37 = arith.constant 0 : i32
    %dma_wait3A_38 = arith.constant 0 : i32
    %dma_wait3A_39 = tpu.memref_slice %arg7[%dma_wait3A_37, %dma_wait3A_38] : memref<10240x128xf32, #tpu.memory_space<vmem_shared>> -> memref<10240x128xf32, #tpu.memory_space<vmem_shared>>
    tpu.wait_indirect_dma semaphore(%arg12 : memref<!tpu.dma_semaphore, #tpu.memory_space<semaphore_mem>>) src(%arg10 : memref<80x128xf32, #tpu.memory_space<vmem>>) dst(%dma_wait3A_39 : memref<10240x128xf32, #tpu.memory_space<vmem_shared>>)
    %dma_wait3A_40 = arith.constant 0 : i32
    %dma_wait3A_41 = arith.constant 0 : i32
    %dma_wait3A_42 = tpu.memref_slice %arg7[%dma_wait3A_40, %dma_wait3A_41] : memref<10240x128xf32, #tpu.memory_space<vmem_shared>> -> memref<10240x128xf32, #tpu.memory_space<vmem_shared>>
    tpu.wait_indirect_dma semaphore(%arg17 : memref<!tpu.dma_semaphore, #tpu.memory_space<semaphore_mem>>) src(%arg15 : memref<80x128xf32, #tpu.memory_space<vmem>>) dst(%dma_wait3A_42 : memref<10240x128xf32, #tpu.memory_space<vmem_shared>>)
    %barrier3A_43 = arith.constant 0 : index
    tpu.barrier barrier_id(%barrier3A_43)
    %mul3A_44 = arith.constant 640 : i32
    %mul3A_45 = arith.muli %arg1, %mul3A_44 : i32
    %mul3A_46 = arith.constant 640 : i32
    %mul3A_47 = arith.muli %arg1, %mul3A_46 : i32
    "tpu.region"() ({
      %run_scoped3A = tpu.sem_alloc : memref<!tpu.dma_semaphore, #tpu.memory_space<semaphore_mem>>
      %dma_start3A_48 = arith.constant 0 : i32
      %dma_start3A_49 = tpu.memref_slice %arg6[%arg0, %mul3A_47, %dma_start3A_48] : memref<2x10240x128xf32, #tpu.memory_space<hbm>> -> memref<1x640x128xf32, #tpu.memory_space<hbm>>
      %dma_start3A_50 = tpu.memref_squeeze %dma_start3A_49 : memref<1x640x128xf32, #tpu.memory_space<hbm>> -> memref<640x128xf32, #tpu.memory_space<hbm>>
      %dma_start3A_51 = arith.constant 0 : i32
      %dma_start3A_52 = tpu.memref_slice %arg7[%mul3A_45, %dma_start3A_51] : memref<10240x128xf32, #tpu.memory_space<vmem_shared>> -> memref<640x128xf32, #tpu.memory_space<vmem_shared>>
      tpu.enqueue_dma source(%dma_start3A_52 : memref<640x128xf32, #tpu.memory_space<vmem_shared>>) target(%dma_start3A_50 : memref<640x128xf32, #tpu.memory_space<hbm>>) target_semaphore(%run_scoped3A : memref<!tpu.dma_semaphore, #tpu.memory_space<semaphore_mem>>)
      %dma_wait3A_53 = arith.constant 0 : i32
      %dma_wait3A_54 = tpu.memref_slice %arg6[%arg0, %mul3A_47, %dma_wait3A_53] : memref<2x10240x128xf32, #tpu.memory_space<hbm>> -> memref<1x640x128xf32, #tpu.memory_space<hbm>>
      %dma_wait3A_55 = tpu.memref_squeeze %dma_wait3A_54 : memref<1x640x128xf32, #tpu.memory_space<hbm>> -> memref<640x128xf32, #tpu.memory_space<hbm>>
      %dma_wait3A_56 = arith.constant 0 : i32
      %dma_wait3A_57 = tpu.memref_slice %arg7[%mul3A_45, %dma_wait3A_56] : memref<10240x128xf32, #tpu.memory_space<vmem_shared>> -> memref<640x128xf32, #tpu.memory_space<vmem_shared>>
      tpu.wait_dma2 semaphore(%run_scoped3A : memref<!tpu.dma_semaphore, #tpu.memory_space<semaphore_mem>>) src(%dma_wait3A_57 : memref<640x128xf32, #tpu.memory_space<vmem_shared>>) dst(%dma_wait3A_55 : memref<640x128xf32, #tpu.memory_space<hbm>>)
      tpu.yield
    }) : () -> ()
    return
  }
}

#map = affine_map<(d0, d1) -> (0)>
#map1 = affine_map<(d0, d1) -> (0, 0)>
#map2 = affine_map<(d0, d1) -> (0, 0, 0)>
module attributes {stable_mosaic.version = 14 : i64} {
  func.func @_deg_body(%arg0: i32, %arg1: i32, %arg2: memref<320000xi32, #tpu.memory_space<hbm>>, %arg3: memref<80x128xf32, #tpu.memory_space<hbm>>, %arg4: memref<640x128xf32, #tpu.memory_space<hbm>>, %arg5: memref<2x10240x128xf32, #tpu.memory_space<hbm>>, %arg6: memref<10240x128xf32, #tpu.memory_space<vmem_shared>>, %arg7: memref<80xi32, #tpu.memory_space<vmem>>, %arg8: memref<!tpu.dma_semaphore, #tpu.memory_space<semaphore_mem>>, %arg9: memref<80xi32, #tpu.memory_space<vmem>>, %arg10: memref<!tpu.dma_semaphore, #tpu.memory_space<semaphore_mem>>, %arg11: memref<80xi32, #tpu.memory_space<vmem>>, %arg12: memref<!tpu.dma_semaphore, #tpu.memory_space<semaphore_mem>>, %arg13: memref<80xi32, #tpu.memory_space<vmem>>, %arg14: memref<!tpu.dma_semaphore, #tpu.memory_space<semaphore_mem>>, %arg15: memref<80x128xf32, #tpu.memory_space<vmem>>) attributes {dimension_semantics = [#tpu.dimension_semantics<core_parallel>, #tpu.dimension_semantics<subcore_parallel>], iteration_bounds = array<i64: 2, 16>, scalar_prefetch = 0 : i64, scratch_operands = 10 : i64, tpu.core_type = #tpu.core_type<sc_vector_subcore>, window_params = [{transform_indices = #map}, {transform_indices = #map1}, {transform_indices = #map1}, {transform_indices = #map2}]} {
    %mul3A = arith.constant 2 : i32
    %mul3A_0 = arith.muli %arg1, %mul3A : i32
    %add3A = arith.addi %mul3A_0, %arg0 : i32
    %mul3A_1 = arith.constant 10000 : i32
    %mul3A_2 = arith.muli %add3A, %mul3A_1 : i32
    "tpu.region"() ({
      %run_scoped3A = tpu.sem_alloc : memref<!tpu.dma_semaphore, #tpu.memory_space<semaphore_mem>>
      tpu.enqueue_dma source(%arg3 : memref<80x128xf32, #tpu.memory_space<hbm>>) target(%arg15 : memref<80x128xf32, #tpu.memory_space<vmem>>) target_semaphore(%run_scoped3A : memref<!tpu.dma_semaphore, #tpu.memory_space<semaphore_mem>>)
      tpu.wait_dma2 semaphore(%run_scoped3A : memref<!tpu.dma_semaphore, #tpu.memory_space<semaphore_mem>>) src(%arg3 : memref<80x128xf32, #tpu.memory_space<hbm>>) dst(%arg15 : memref<80x128xf32, #tpu.memory_space<vmem>>)
      tpu.yield
    }) : () -> ()
    %mul3A_3 = arith.constant 640 : i32
    %mul3A_4 = arith.muli %arg1, %mul3A_3 : i32
    "tpu.region"() ({
      %run_scoped3A = tpu.sem_alloc : memref<!tpu.dma_semaphore, #tpu.memory_space<semaphore_mem>>
      %dma_start3A_57 = arith.constant 0 : i32
      %dma_start3A_58 = tpu.memref_slice %arg6[%mul3A_4, %dma_start3A_57] : memref<10240x128xf32, #tpu.memory_space<vmem_shared>> -> memref<640x128xf32, #tpu.memory_space<vmem_shared>>
      tpu.enqueue_dma source(%arg4 : memref<640x128xf32, #tpu.memory_space<hbm>>) target(%dma_start3A_58 : memref<640x128xf32, #tpu.memory_space<vmem_shared>>) target_semaphore(%run_scoped3A : memref<!tpu.dma_semaphore, #tpu.memory_space<semaphore_mem>>)
      %dma_wait3A_59 = arith.constant 0 : i32
      %dma_wait3A_60 = tpu.memref_slice %arg6[%mul3A_4, %dma_wait3A_59] : memref<10240x128xf32, #tpu.memory_space<vmem_shared>> -> memref<640x128xf32, #tpu.memory_space<vmem_shared>>
      tpu.wait_dma2 semaphore(%run_scoped3A : memref<!tpu.dma_semaphore, #tpu.memory_space<semaphore_mem>>) src(%arg4 : memref<640x128xf32, #tpu.memory_space<hbm>>) dst(%dma_wait3A_60 : memref<640x128xf32, #tpu.memory_space<vmem_shared>>)
      tpu.yield
    }) : () -> ()
    %barrier3A = arith.constant 0 : index
    tpu.barrier barrier_id(%barrier3A)
    %add3A_5 = arith.constant 0 : i32
    %add3A_6 = arith.addi %mul3A_2, %add3A_5 : i32
    %multiple_of3A = tpu.assume_multiple %add3A_6, 8 : i32
    "tpu.region"() ({
      %run_scoped3A = tpu.sem_alloc : memref<!tpu.dma_semaphore, #tpu.memory_space<semaphore_mem>>
      %dma_start3A_57 = tpu.memref_slice %arg2[%multiple_of3A] : memref<320000xi32, #tpu.memory_space<hbm>> -> memref<80xi32, #tpu.memory_space<hbm>>
      %dma_start3A_58 = tpu.memref_slice %arg2[%multiple_of3A] : memref<320000xi32, #tpu.memory_space<hbm>> -> memref<80xi32, #tpu.memory_space<hbm>>
      tpu.enqueue_dma source(%dma_start3A_58 : memref<80xi32, #tpu.memory_space<hbm>>) target(%arg7 : memref<80xi32, #tpu.memory_space<vmem>>) target_semaphore(%run_scoped3A : memref<!tpu.dma_semaphore, #tpu.memory_space<semaphore_mem>>)
      %dma_wait3A_59 = tpu.memref_slice %arg2[%multiple_of3A] : memref<320000xi32, #tpu.memory_space<hbm>> -> memref<80xi32, #tpu.memory_space<hbm>>
      %dma_wait3A_60 = tpu.memref_slice %arg2[%multiple_of3A] : memref<320000xi32, #tpu.memory_space<hbm>> -> memref<80xi32, #tpu.memory_space<hbm>>
      tpu.wait_dma2 semaphore(%run_scoped3A : memref<!tpu.dma_semaphore, #tpu.memory_space<semaphore_mem>>) src(%dma_wait3A_60 : memref<80xi32, #tpu.memory_space<hbm>>) dst(%arg7 : memref<80xi32, #tpu.memory_space<vmem>>)
      tpu.yield
    }) : () -> ()
    %add3A_7 = arith.constant 80 : i32
    %add3A_8 = arith.addi %mul3A_2, %add3A_7 : i32
    %multiple_of3A_9 = tpu.assume_multiple %add3A_8, 8 : i32
    "tpu.region"() ({
      %run_scoped3A = tpu.sem_alloc : memref<!tpu.dma_semaphore, #tpu.memory_space<semaphore_mem>>
      %dma_start3A_57 = tpu.memref_slice %arg2[%multiple_of3A_9] : memref<320000xi32, #tpu.memory_space<hbm>> -> memref<80xi32, #tpu.memory_space<hbm>>
      %dma_start3A_58 = tpu.memref_slice %arg2[%multiple_of3A_9] : memref<320000xi32, #tpu.memory_space<hbm>> -> memref<80xi32, #tpu.memory_space<hbm>>
      tpu.enqueue_dma source(%dma_start3A_58 : memref<80xi32, #tpu.memory_space<hbm>>) target(%arg9 : memref<80xi32, #tpu.memory_space<vmem>>) target_semaphore(%run_scoped3A : memref<!tpu.dma_semaphore, #tpu.memory_space<semaphore_mem>>)
      %dma_wait3A_59 = tpu.memref_slice %arg2[%multiple_of3A_9] : memref<320000xi32, #tpu.memory_space<hbm>> -> memref<80xi32, #tpu.memory_space<hbm>>
      %dma_wait3A_60 = tpu.memref_slice %arg2[%multiple_of3A_9] : memref<320000xi32, #tpu.memory_space<hbm>> -> memref<80xi32, #tpu.memory_space<hbm>>
      tpu.wait_dma2 semaphore(%run_scoped3A : memref<!tpu.dma_semaphore, #tpu.memory_space<semaphore_mem>>) src(%dma_wait3A_60 : memref<80xi32, #tpu.memory_space<hbm>>) dst(%arg9 : memref<80xi32, #tpu.memory_space<vmem>>)
      tpu.yield
    }) : () -> ()
    %dma_start3A = arith.constant 0 : i32
    %dma_start3A_10 = arith.constant 0 : i32
    %dma_start3A_11 = tpu.memref_slice %arg6[%dma_start3A, %dma_start3A_10] : memref<10240x128xf32, #tpu.memory_space<vmem_shared>> -> memref<10240x128xf32, #tpu.memory_space<vmem_shared>>
    tpu.enqueue_indirect_dma source(%arg15 : memref<80x128xf32, #tpu.memory_space<vmem>>) target(%dma_start3A_11 : memref<10240x128xf32, #tpu.memory_space<vmem_shared>>) offsets(%arg7 : memref<80xi32, #tpu.memory_space<vmem>>) semaphore(%arg8 : memref<!tpu.dma_semaphore, #tpu.memory_space<semaphore_mem>>) {add = true}
    %add3A_12 = arith.constant 160 : i32
    %add3A_13 = arith.addi %mul3A_2, %add3A_12 : i32
    %multiple_of3A_14 = tpu.assume_multiple %add3A_13, 8 : i32
    "tpu.region"() ({
      %run_scoped3A = tpu.sem_alloc : memref<!tpu.dma_semaphore, #tpu.memory_space<semaphore_mem>>
      %dma_start3A_57 = tpu.memref_slice %arg2[%multiple_of3A_14] : memref<320000xi32, #tpu.memory_space<hbm>> -> memref<80xi32, #tpu.memory_space<hbm>>
      %dma_start3A_58 = tpu.memref_slice %arg2[%multiple_of3A_14] : memref<320000xi32, #tpu.memory_space<hbm>> -> memref<80xi32, #tpu.memory_space<hbm>>
      tpu.enqueue_dma source(%dma_start3A_58 : memref<80xi32, #tpu.memory_space<hbm>>) target(%arg11 : memref<80xi32, #tpu.memory_space<vmem>>) target_semaphore(%run_scoped3A : memref<!tpu.dma_semaphore, #tpu.memory_space<semaphore_mem>>)
      %dma_wait3A_59 = tpu.memref_slice %arg2[%multiple_of3A_14] : memref<320000xi32, #tpu.memory_space<hbm>> -> memref<80xi32, #tpu.memory_space<hbm>>
      %dma_wait3A_60 = tpu.memref_slice %arg2[%multiple_of3A_14] : memref<320000xi32, #tpu.memory_space<hbm>> -> memref<80xi32, #tpu.memory_space<hbm>>
      tpu.wait_dma2 semaphore(%run_scoped3A : memref<!tpu.dma_semaphore, #tpu.memory_space<semaphore_mem>>) src(%dma_wait3A_60 : memref<80xi32, #tpu.memory_space<hbm>>) dst(%arg11 : memref<80xi32, #tpu.memory_space<vmem>>)
      tpu.yield
    }) : () -> ()
    %dma_start3A_15 = arith.constant 0 : i32
    %dma_start3A_16 = arith.constant 0 : i32
    %dma_start3A_17 = tpu.memref_slice %arg6[%dma_start3A_15, %dma_start3A_16] : memref<10240x128xf32, #tpu.memory_space<vmem_shared>> -> memref<10240x128xf32, #tpu.memory_space<vmem_shared>>
    tpu.enqueue_indirect_dma source(%arg15 : memref<80x128xf32, #tpu.memory_space<vmem>>) target(%dma_start3A_17 : memref<10240x128xf32, #tpu.memory_space<vmem_shared>>) offsets(%arg9 : memref<80xi32, #tpu.memory_space<vmem>>) semaphore(%arg10 : memref<!tpu.dma_semaphore, #tpu.memory_space<semaphore_mem>>) {add = true}
    %add3A_18 = arith.constant 240 : i32
    %add3A_19 = arith.addi %mul3A_2, %add3A_18 : i32
    %multiple_of3A_20 = tpu.assume_multiple %add3A_19, 8 : i32
    "tpu.region"() ({
      %run_scoped3A = tpu.sem_alloc : memref<!tpu.dma_semaphore, #tpu.memory_space<semaphore_mem>>
      %dma_start3A_57 = tpu.memref_slice %arg2[%multiple_of3A_20] : memref<320000xi32, #tpu.memory_space<hbm>> -> memref<80xi32, #tpu.memory_space<hbm>>
      %dma_start3A_58 = tpu.memref_slice %arg2[%multiple_of3A_20] : memref<320000xi32, #tpu.memory_space<hbm>> -> memref<80xi32, #tpu.memory_space<hbm>>
      tpu.enqueue_dma source(%dma_start3A_58 : memref<80xi32, #tpu.memory_space<hbm>>) target(%arg13 : memref<80xi32, #tpu.memory_space<vmem>>) target_semaphore(%run_scoped3A : memref<!tpu.dma_semaphore, #tpu.memory_space<semaphore_mem>>)
      %dma_wait3A_59 = tpu.memref_slice %arg2[%multiple_of3A_20] : memref<320000xi32, #tpu.memory_space<hbm>> -> memref<80xi32, #tpu.memory_space<hbm>>
      %dma_wait3A_60 = tpu.memref_slice %arg2[%multiple_of3A_20] : memref<320000xi32, #tpu.memory_space<hbm>> -> memref<80xi32, #tpu.memory_space<hbm>>
      tpu.wait_dma2 semaphore(%run_scoped3A : memref<!tpu.dma_semaphore, #tpu.memory_space<semaphore_mem>>) src(%dma_wait3A_60 : memref<80xi32, #tpu.memory_space<hbm>>) dst(%arg13 : memref<80xi32, #tpu.memory_space<vmem>>)
      tpu.yield
    }) : () -> ()
    %scan3A = arith.constant 0 : i32
    %scan3A_21 = arith.constant 0 : i32
    %scan3A_22 = arith.constant 30 : i32
    %scan3A_23 = arith.addi %scan3A_21, %scan3A_22 : i32
    %scan3A_24 = arith.constant 1 : i32
    scf.for %scan3A_57 = %scan3A_21 to %scan3A_23 step %scan3A_24  : i32 {
      %mul3A_58 = arith.constant 4 : i32
      %mul3A_59 = arith.muli %mul3A_58, %scan3A_57 : i32
      %add3A_60 = arith.constant 2 : i32
      %add3A_61 = arith.addi %mul3A_59, %add3A_60 : i32
      %add3A_62 = arith.constant 0 : i32
      %add3A_63 = arith.addi %add3A_61, %add3A_62 : i32
      %dma_start3A_64 = arith.constant 0 : i32
      %dma_start3A_65 = arith.constant 0 : i32
      %dma_start3A_66 = tpu.memref_slice %arg6[%dma_start3A_64, %dma_start3A_65] : memref<10240x128xf32, #tpu.memory_space<vmem_shared>> -> memref<10240x128xf32, #tpu.memory_space<vmem_shared>>
      tpu.enqueue_indirect_dma source(%arg15 : memref<80x128xf32, #tpu.memory_space<vmem>>) target(%dma_start3A_66 : memref<10240x128xf32, #tpu.memory_space<vmem_shared>>) offsets(%arg11 : memref<80xi32, #tpu.memory_space<vmem>>) semaphore(%arg12 : memref<!tpu.dma_semaphore, #tpu.memory_space<semaphore_mem>>) {add = true}
      %dma_wait3A_67 = arith.constant 0 : i32
      %dma_wait3A_68 = arith.constant 0 : i32
      %dma_wait3A_69 = tpu.memref_slice %arg6[%dma_wait3A_67, %dma_wait3A_68] : memref<10240x128xf32, #tpu.memory_space<vmem_shared>> -> memref<10240x128xf32, #tpu.memory_space<vmem_shared>>
      tpu.wait_indirect_dma semaphore(%arg8 : memref<!tpu.dma_semaphore, #tpu.memory_space<semaphore_mem>>) src(%arg15 : memref<80x128xf32, #tpu.memory_space<vmem>>) dst(%dma_wait3A_69 : memref<10240x128xf32, #tpu.memory_space<vmem_shared>>)
      %add3A_70 = arith.constant 2 : i32
      %add3A_71 = arith.addi %add3A_63, %add3A_70 : i32
      %lt3A = arith.constant 125 : i32
      %lt3A_72 = arith.cmpi slt, %add3A_71, %lt3A : i32
      %convert_element_type3A = arith.extui %lt3A_72 : i1 to i32
      %cond3A = arith.constant 0 : i32
      %cond3A_73 = arith.cmpi ne, %convert_element_type3A, %cond3A : i32
      scf.if %cond3A_73 {
        %add3A_119 = arith.constant 2 : i32
        %add3A_120 = arith.addi %add3A_63, %add3A_119 : i32
        %mul3A_121 = arith.constant 80 : i32
        %mul3A_122 = arith.muli %add3A_120, %mul3A_121 : i32
        %add3A_123 = arith.addi %mul3A_2, %mul3A_122 : i32
        %multiple_of3A_124 = tpu.assume_multiple %add3A_123, 8 : i32
        "tpu.region"() ({
          %run_scoped3A = tpu.sem_alloc : memref<!tpu.dma_semaphore, #tpu.memory_space<semaphore_mem>>
          %dma_start3A_125 = tpu.memref_slice %arg2[%multiple_of3A_124] : memref<320000xi32, #tpu.memory_space<hbm>> -> memref<80xi32, #tpu.memory_space<hbm>>
          %dma_start3A_126 = tpu.memref_slice %arg2[%multiple_of3A_124] : memref<320000xi32, #tpu.memory_space<hbm>> -> memref<80xi32, #tpu.memory_space<hbm>>
          tpu.enqueue_dma source(%dma_start3A_126 : memref<80xi32, #tpu.memory_space<hbm>>) target(%arg7 : memref<80xi32, #tpu.memory_space<vmem>>) target_semaphore(%run_scoped3A : memref<!tpu.dma_semaphore, #tpu.memory_space<semaphore_mem>>)
          %dma_wait3A_127 = tpu.memref_slice %arg2[%multiple_of3A_124] : memref<320000xi32, #tpu.memory_space<hbm>> -> memref<80xi32, #tpu.memory_space<hbm>>
          %dma_wait3A_128 = tpu.memref_slice %arg2[%multiple_of3A_124] : memref<320000xi32, #tpu.memory_space<hbm>> -> memref<80xi32, #tpu.memory_space<hbm>>
          tpu.wait_dma2 semaphore(%run_scoped3A : memref<!tpu.dma_semaphore, #tpu.memory_space<semaphore_mem>>) src(%dma_wait3A_128 : memref<80xi32, #tpu.memory_space<hbm>>) dst(%arg7 : memref<80xi32, #tpu.memory_space<vmem>>)
          tpu.yield
        }) : () -> ()
      } else {
      }
      %add3A_74 = arith.constant 1 : i32
      %add3A_75 = arith.addi %add3A_61, %add3A_74 : i32
      %dma_start3A_76 = arith.constant 0 : i32
      %dma_start3A_77 = arith.constant 0 : i32
      %dma_start3A_78 = tpu.memref_slice %arg6[%dma_start3A_76, %dma_start3A_77] : memref<10240x128xf32, #tpu.memory_space<vmem_shared>> -> memref<10240x128xf32, #tpu.memory_space<vmem_shared>>
      tpu.enqueue_indirect_dma source(%arg15 : memref<80x128xf32, #tpu.memory_space<vmem>>) target(%dma_start3A_78 : memref<10240x128xf32, #tpu.memory_space<vmem_shared>>) offsets(%arg13 : memref<80xi32, #tpu.memory_space<vmem>>) semaphore(%arg14 : memref<!tpu.dma_semaphore, #tpu.memory_space<semaphore_mem>>) {add = true}
      %dma_wait3A_79 = arith.constant 0 : i32
      %dma_wait3A_80 = arith.constant 0 : i32
      %dma_wait3A_81 = tpu.memref_slice %arg6[%dma_wait3A_79, %dma_wait3A_80] : memref<10240x128xf32, #tpu.memory_space<vmem_shared>> -> memref<10240x128xf32, #tpu.memory_space<vmem_shared>>
      tpu.wait_indirect_dma semaphore(%arg10 : memref<!tpu.dma_semaphore, #tpu.memory_space<semaphore_mem>>) src(%arg15 : memref<80x128xf32, #tpu.memory_space<vmem>>) dst(%dma_wait3A_81 : memref<10240x128xf32, #tpu.memory_space<vmem_shared>>)
      %add3A_82 = arith.constant 2 : i32
      %add3A_83 = arith.addi %add3A_75, %add3A_82 : i32
      %lt3A_84 = arith.constant 125 : i32
      %lt3A_85 = arith.cmpi slt, %add3A_83, %lt3A_84 : i32
      %convert_element_type3A_86 = arith.extui %lt3A_85 : i1 to i32
      %cond3A_87 = arith.constant 0 : i32
      %cond3A_88 = arith.cmpi ne, %convert_element_type3A_86, %cond3A_87 : i32
      scf.if %cond3A_88 {
        %add3A_119 = arith.constant 2 : i32
        %add3A_120 = arith.addi %add3A_75, %add3A_119 : i32
        %mul3A_121 = arith.constant 80 : i32
        %mul3A_122 = arith.muli %add3A_120, %mul3A_121 : i32
        %add3A_123 = arith.addi %mul3A_2, %mul3A_122 : i32
        %multiple_of3A_124 = tpu.assume_multiple %add3A_123, 8 : i32
        "tpu.region"() ({
          %run_scoped3A = tpu.sem_alloc : memref<!tpu.dma_semaphore, #tpu.memory_space<semaphore_mem>>
          %dma_start3A_125 = tpu.memref_slice %arg2[%multiple_of3A_124] : memref<320000xi32, #tpu.memory_space<hbm>> -> memref<80xi32, #tpu.memory_space<hbm>>
          %dma_start3A_126 = tpu.memref_slice %arg2[%multiple_of3A_124] : memref<320000xi32, #tpu.memory_space<hbm>> -> memref<80xi32, #tpu.memory_space<hbm>>
          tpu.enqueue_dma source(%dma_start3A_126 : memref<80xi32, #tpu.memory_space<hbm>>) target(%arg9 : memref<80xi32, #tpu.memory_space<vmem>>) target_semaphore(%run_scoped3A : memref<!tpu.dma_semaphore, #tpu.memory_space<semaphore_mem>>)
          %dma_wait3A_127 = tpu.memref_slice %arg2[%multiple_of3A_124] : memref<320000xi32, #tpu.memory_space<hbm>> -> memref<80xi32, #tpu.memory_space<hbm>>
          %dma_wait3A_128 = tpu.memref_slice %arg2[%multiple_of3A_124] : memref<320000xi32, #tpu.memory_space<hbm>> -> memref<80xi32, #tpu.memory_space<hbm>>
          tpu.wait_dma2 semaphore(%run_scoped3A : memref<!tpu.dma_semaphore, #tpu.memory_space<semaphore_mem>>) src(%dma_wait3A_128 : memref<80xi32, #tpu.memory_space<hbm>>) dst(%arg9 : memref<80xi32, #tpu.memory_space<vmem>>)
          tpu.yield
        }) : () -> ()
      } else {
      }
      %add3A_89 = arith.constant 2 : i32
      %add3A_90 = arith.addi %add3A_61, %add3A_89 : i32
      %dma_start3A_91 = arith.constant 0 : i32
      %dma_start3A_92 = arith.constant 0 : i32
      %dma_start3A_93 = tpu.memref_slice %arg6[%dma_start3A_91, %dma_start3A_92] : memref<10240x128xf32, #tpu.memory_space<vmem_shared>> -> memref<10240x128xf32, #tpu.memory_space<vmem_shared>>
      tpu.enqueue_indirect_dma source(%arg15 : memref<80x128xf32, #tpu.memory_space<vmem>>) target(%dma_start3A_93 : memref<10240x128xf32, #tpu.memory_space<vmem_shared>>) offsets(%arg7 : memref<80xi32, #tpu.memory_space<vmem>>) semaphore(%arg8 : memref<!tpu.dma_semaphore, #tpu.memory_space<semaphore_mem>>) {add = true}
      %dma_wait3A_94 = arith.constant 0 : i32
      %dma_wait3A_95 = arith.constant 0 : i32
      %dma_wait3A_96 = tpu.memref_slice %arg6[%dma_wait3A_94, %dma_wait3A_95] : memref<10240x128xf32, #tpu.memory_space<vmem_shared>> -> memref<10240x128xf32, #tpu.memory_space<vmem_shared>>
      tpu.wait_indirect_dma semaphore(%arg12 : memref<!tpu.dma_semaphore, #tpu.memory_space<semaphore_mem>>) src(%arg15 : memref<80x128xf32, #tpu.memory_space<vmem>>) dst(%dma_wait3A_96 : memref<10240x128xf32, #tpu.memory_space<vmem_shared>>)
      %add3A_97 = arith.constant 2 : i32
      %add3A_98 = arith.addi %add3A_90, %add3A_97 : i32
      %lt3A_99 = arith.constant 125 : i32
      %lt3A_100 = arith.cmpi slt, %add3A_98, %lt3A_99 : i32
      %convert_element_type3A_101 = arith.extui %lt3A_100 : i1 to i32
      %cond3A_102 = arith.constant 0 : i32
      %cond3A_103 = arith.cmpi ne, %convert_element_type3A_101, %cond3A_102 : i32
      scf.if %cond3A_103 {
        %add3A_119 = arith.constant 2 : i32
        %add3A_120 = arith.addi %add3A_90, %add3A_119 : i32
        %mul3A_121 = arith.constant 80 : i32
        %mul3A_122 = arith.muli %add3A_120, %mul3A_121 : i32
        %add3A_123 = arith.addi %mul3A_2, %mul3A_122 : i32
        %multiple_of3A_124 = tpu.assume_multiple %add3A_123, 8 : i32
        "tpu.region"() ({
          %run_scoped3A = tpu.sem_alloc : memref<!tpu.dma_semaphore, #tpu.memory_space<semaphore_mem>>
          %dma_start3A_125 = tpu.memref_slice %arg2[%multiple_of3A_124] : memref<320000xi32, #tpu.memory_space<hbm>> -> memref<80xi32, #tpu.memory_space<hbm>>
          %dma_start3A_126 = tpu.memref_slice %arg2[%multiple_of3A_124] : memref<320000xi32, #tpu.memory_space<hbm>> -> memref<80xi32, #tpu.memory_space<hbm>>
          tpu.enqueue_dma source(%dma_start3A_126 : memref<80xi32, #tpu.memory_space<hbm>>) target(%arg11 : memref<80xi32, #tpu.memory_space<vmem>>) target_semaphore(%run_scoped3A : memref<!tpu.dma_semaphore, #tpu.memory_space<semaphore_mem>>)
          %dma_wait3A_127 = tpu.memref_slice %arg2[%multiple_of3A_124] : memref<320000xi32, #tpu.memory_space<hbm>> -> memref<80xi32, #tpu.memory_space<hbm>>
          %dma_wait3A_128 = tpu.memref_slice %arg2[%multiple_of3A_124] : memref<320000xi32, #tpu.memory_space<hbm>> -> memref<80xi32, #tpu.memory_space<hbm>>
          tpu.wait_dma2 semaphore(%run_scoped3A : memref<!tpu.dma_semaphore, #tpu.memory_space<semaphore_mem>>) src(%dma_wait3A_128 : memref<80xi32, #tpu.memory_space<hbm>>) dst(%arg11 : memref<80xi32, #tpu.memory_space<vmem>>)
          tpu.yield
        }) : () -> ()
      } else {
      }
      %add3A_104 = arith.constant 3 : i32
      %add3A_105 = arith.addi %add3A_61, %add3A_104 : i32
      %dma_start3A_106 = arith.constant 0 : i32
      %dma_start3A_107 = arith.constant 0 : i32
      %dma_start3A_108 = tpu.memref_slice %arg6[%dma_start3A_106, %dma_start3A_107] : memref<10240x128xf32, #tpu.memory_space<vmem_shared>> -> memref<10240x128xf32, #tpu.memory_space<vmem_shared>>
      tpu.enqueue_indirect_dma source(%arg15 : memref<80x128xf32, #tpu.memory_space<vmem>>) target(%dma_start3A_108 : memref<10240x128xf32, #tpu.memory_space<vmem_shared>>) offsets(%arg9 : memref<80xi32, #tpu.memory_space<vmem>>) semaphore(%arg10 : memref<!tpu.dma_semaphore, #tpu.memory_space<semaphore_mem>>) {add = true}
      %dma_wait3A_109 = arith.constant 0 : i32
      %dma_wait3A_110 = arith.constant 0 : i32
      %dma_wait3A_111 = tpu.memref_slice %arg6[%dma_wait3A_109, %dma_wait3A_110] : memref<10240x128xf32, #tpu.memory_space<vmem_shared>> -> memref<10240x128xf32, #tpu.memory_space<vmem_shared>>
      tpu.wait_indirect_dma semaphore(%arg14 : memref<!tpu.dma_semaphore, #tpu.memory_space<semaphore_mem>>) src(%arg15 : memref<80x128xf32, #tpu.memory_space<vmem>>) dst(%dma_wait3A_111 : memref<10240x128xf32, #tpu.memory_space<vmem_shared>>)
      %add3A_112 = arith.constant 2 : i32
      %add3A_113 = arith.addi %add3A_105, %add3A_112 : i32
      %lt3A_114 = arith.constant 125 : i32
      %lt3A_115 = arith.cmpi slt, %add3A_113, %lt3A_114 : i32
      %convert_element_type3A_116 = arith.extui %lt3A_115 : i1 to i32
      %cond3A_117 = arith.constant 0 : i32
      %cond3A_118 = arith.cmpi ne, %convert_element_type3A_116, %cond3A_117 : i32
      scf.if %cond3A_118 {
        %add3A_119 = arith.constant 2 : i32
        %add3A_120 = arith.addi %add3A_105, %add3A_119 : i32
        %mul3A_121 = arith.constant 80 : i32
        %mul3A_122 = arith.muli %add3A_120, %mul3A_121 : i32
        %add3A_123 = arith.addi %mul3A_2, %mul3A_122 : i32
        %multiple_of3A_124 = tpu.assume_multiple %add3A_123, 8 : i32
        "tpu.region"() ({
          %run_scoped3A = tpu.sem_alloc : memref<!tpu.dma_semaphore, #tpu.memory_space<semaphore_mem>>
          %dma_start3A_125 = tpu.memref_slice %arg2[%multiple_of3A_124] : memref<320000xi32, #tpu.memory_space<hbm>> -> memref<80xi32, #tpu.memory_space<hbm>>
          %dma_start3A_126 = tpu.memref_slice %arg2[%multiple_of3A_124] : memref<320000xi32, #tpu.memory_space<hbm>> -> memref<80xi32, #tpu.memory_space<hbm>>
          tpu.enqueue_dma source(%dma_start3A_126 : memref<80xi32, #tpu.memory_space<hbm>>) target(%arg13 : memref<80xi32, #tpu.memory_space<vmem>>) target_semaphore(%run_scoped3A : memref<!tpu.dma_semaphore, #tpu.memory_space<semaphore_mem>>)
          %dma_wait3A_127 = tpu.memref_slice %arg2[%multiple_of3A_124] : memref<320000xi32, #tpu.memory_space<hbm>> -> memref<80xi32, #tpu.memory_space<hbm>>
          %dma_wait3A_128 = tpu.memref_slice %arg2[%multiple_of3A_124] : memref<320000xi32, #tpu.memory_space<hbm>> -> memref<80xi32, #tpu.memory_space<hbm>>
          tpu.wait_dma2 semaphore(%run_scoped3A : memref<!tpu.dma_semaphore, #tpu.memory_space<semaphore_mem>>) src(%dma_wait3A_128 : memref<80xi32, #tpu.memory_space<hbm>>) dst(%arg13 : memref<80xi32, #tpu.memory_space<vmem>>)
          tpu.yield
        }) : () -> ()
      } else {
      }
    }
    %scan3A_25 = arith.constant 30 : i32
    %dma_start3A_26 = arith.constant 0 : i32
    %dma_start3A_27 = arith.constant 0 : i32
    %dma_start3A_28 = tpu.memref_slice %arg6[%dma_start3A_26, %dma_start3A_27] : memref<10240x128xf32, #tpu.memory_space<vmem_shared>> -> memref<10240x128xf32, #tpu.memory_space<vmem_shared>>
    tpu.enqueue_indirect_dma source(%arg15 : memref<80x128xf32, #tpu.memory_space<vmem>>) target(%dma_start3A_28 : memref<10240x128xf32, #tpu.memory_space<vmem_shared>>) offsets(%arg11 : memref<80xi32, #tpu.memory_space<vmem>>) semaphore(%arg12 : memref<!tpu.dma_semaphore, #tpu.memory_space<semaphore_mem>>) {add = true}
    %dma_wait3A = arith.constant 0 : i32
    %dma_wait3A_29 = arith.constant 0 : i32
    %dma_wait3A_30 = tpu.memref_slice %arg6[%dma_wait3A, %dma_wait3A_29] : memref<10240x128xf32, #tpu.memory_space<vmem_shared>> -> memref<10240x128xf32, #tpu.memory_space<vmem_shared>>
    tpu.wait_indirect_dma semaphore(%arg8 : memref<!tpu.dma_semaphore, #tpu.memory_space<semaphore_mem>>) src(%arg15 : memref<80x128xf32, #tpu.memory_space<vmem>>) dst(%dma_wait3A_30 : memref<10240x128xf32, #tpu.memory_space<vmem_shared>>)
    %add3A_31 = arith.constant 9920 : i32
    %add3A_32 = arith.addi %mul3A_2, %add3A_31 : i32
    %multiple_of3A_33 = tpu.assume_multiple %add3A_32, 8 : i32
    "tpu.region"() ({
      %run_scoped3A = tpu.sem_alloc : memref<!tpu.dma_semaphore, #tpu.memory_space<semaphore_mem>>
      %dma_start3A_57 = tpu.memref_slice %arg2[%multiple_of3A_33] : memref<320000xi32, #tpu.memory_space<hbm>> -> memref<80xi32, #tpu.memory_space<hbm>>
      %dma_start3A_58 = tpu.memref_slice %arg2[%multiple_of3A_33] : memref<320000xi32, #tpu.memory_space<hbm>> -> memref<80xi32, #tpu.memory_space<hbm>>
      tpu.enqueue_dma source(%dma_start3A_58 : memref<80xi32, #tpu.memory_space<hbm>>) target(%arg7 : memref<80xi32, #tpu.memory_space<vmem>>) target_semaphore(%run_scoped3A : memref<!tpu.dma_semaphore, #tpu.memory_space<semaphore_mem>>)
      %dma_wait3A_59 = tpu.memref_slice %arg2[%multiple_of3A_33] : memref<320000xi32, #tpu.memory_space<hbm>> -> memref<80xi32, #tpu.memory_space<hbm>>
      %dma_wait3A_60 = tpu.memref_slice %arg2[%multiple_of3A_33] : memref<320000xi32, #tpu.memory_space<hbm>> -> memref<80xi32, #tpu.memory_space<hbm>>
      tpu.wait_dma2 semaphore(%run_scoped3A : memref<!tpu.dma_semaphore, #tpu.memory_space<semaphore_mem>>) src(%dma_wait3A_60 : memref<80xi32, #tpu.memory_space<hbm>>) dst(%arg7 : memref<80xi32, #tpu.memory_space<vmem>>)
      tpu.yield
    }) : () -> ()
    %dma_start3A_34 = arith.constant 0 : i32
    %dma_start3A_35 = arith.constant 0 : i32
    %dma_start3A_36 = tpu.memref_slice %arg6[%dma_start3A_34, %dma_start3A_35] : memref<10240x128xf32, #tpu.memory_space<vmem_shared>> -> memref<10240x128xf32, #tpu.memory_space<vmem_shared>>
    tpu.enqueue_indirect_dma source(%arg15 : memref<80x128xf32, #tpu.memory_space<vmem>>) target(%dma_start3A_36 : memref<10240x128xf32, #tpu.memory_space<vmem_shared>>) offsets(%arg13 : memref<80xi32, #tpu.memory_space<vmem>>) semaphore(%arg14 : memref<!tpu.dma_semaphore, #tpu.memory_space<semaphore_mem>>) {add = true}
    %dma_wait3A_37 = arith.constant 0 : i32
    %dma_wait3A_38 = arith.constant 0 : i32
    %dma_wait3A_39 = tpu.memref_slice %arg6[%dma_wait3A_37, %dma_wait3A_38] : memref<10240x128xf32, #tpu.memory_space<vmem_shared>> -> memref<10240x128xf32, #tpu.memory_space<vmem_shared>>
    tpu.wait_indirect_dma semaphore(%arg10 : memref<!tpu.dma_semaphore, #tpu.memory_space<semaphore_mem>>) src(%arg15 : memref<80x128xf32, #tpu.memory_space<vmem>>) dst(%dma_wait3A_39 : memref<10240x128xf32, #tpu.memory_space<vmem_shared>>)
    %dma_start3A_40 = arith.constant 0 : i32
    %dma_start3A_41 = arith.constant 0 : i32
    %dma_start3A_42 = tpu.memref_slice %arg6[%dma_start3A_40, %dma_start3A_41] : memref<10240x128xf32, #tpu.memory_space<vmem_shared>> -> memref<10240x128xf32, #tpu.memory_space<vmem_shared>>
    tpu.enqueue_indirect_dma source(%arg15 : memref<80x128xf32, #tpu.memory_space<vmem>>) target(%dma_start3A_42 : memref<10240x128xf32, #tpu.memory_space<vmem_shared>>) offsets(%arg7 : memref<80xi32, #tpu.memory_space<vmem>>) semaphore(%arg8 : memref<!tpu.dma_semaphore, #tpu.memory_space<semaphore_mem>>) {add = true}
    %dma_wait3A_43 = arith.constant 0 : i32
    %dma_wait3A_44 = arith.constant 0 : i32
    %dma_wait3A_45 = tpu.memref_slice %arg6[%dma_wait3A_43, %dma_wait3A_44] : memref<10240x128xf32, #tpu.memory_space<vmem_shared>> -> memref<10240x128xf32, #tpu.memory_space<vmem_shared>>
    tpu.wait_indirect_dma semaphore(%arg12 : memref<!tpu.dma_semaphore, #tpu.memory_space<semaphore_mem>>) src(%arg15 : memref<80x128xf32, #tpu.memory_space<vmem>>) dst(%dma_wait3A_45 : memref<10240x128xf32, #tpu.memory_space<vmem_shared>>)
    %dma_wait3A_46 = arith.constant 0 : i32
    %dma_wait3A_47 = arith.constant 0 : i32
    %dma_wait3A_48 = tpu.memref_slice %arg6[%dma_wait3A_46, %dma_wait3A_47] : memref<10240x128xf32, #tpu.memory_space<vmem_shared>> -> memref<10240x128xf32, #tpu.memory_space<vmem_shared>>
    tpu.wait_indirect_dma semaphore(%arg14 : memref<!tpu.dma_semaphore, #tpu.memory_space<semaphore_mem>>) src(%arg15 : memref<80x128xf32, #tpu.memory_space<vmem>>) dst(%dma_wait3A_48 : memref<10240x128xf32, #tpu.memory_space<vmem_shared>>)
    %dma_wait3A_49 = arith.constant 0 : i32
    %dma_wait3A_50 = arith.constant 0 : i32
    %dma_wait3A_51 = tpu.memref_slice %arg6[%dma_wait3A_49, %dma_wait3A_50] : memref<10240x128xf32, #tpu.memory_space<vmem_shared>> -> memref<10240x128xf32, #tpu.memory_space<vmem_shared>>
    tpu.wait_indirect_dma semaphore(%arg8 : memref<!tpu.dma_semaphore, #tpu.memory_space<semaphore_mem>>) src(%arg15 : memref<80x128xf32, #tpu.memory_space<vmem>>) dst(%dma_wait3A_51 : memref<10240x128xf32, #tpu.memory_space<vmem_shared>>)
    %barrier3A_52 = arith.constant 0 : index
    tpu.barrier barrier_id(%barrier3A_52)
    %mul3A_53 = arith.constant 640 : i32
    %mul3A_54 = arith.muli %arg1, %mul3A_53 : i32
    %mul3A_55 = arith.constant 640 : i32
    %mul3A_56 = arith.muli %arg1, %mul3A_55 : i32
    "tpu.region"() ({
      %run_scoped3A = tpu.sem_alloc : memref<!tpu.dma_semaphore, #tpu.memory_space<semaphore_mem>>
      %dma_start3A_57 = arith.constant 0 : i32
      %dma_start3A_58 = tpu.memref_slice %arg5[%arg0, %mul3A_56, %dma_start3A_57] : memref<2x10240x128xf32, #tpu.memory_space<hbm>> -> memref<1x640x128xf32, #tpu.memory_space<hbm>>
      %dma_start3A_59 = tpu.memref_squeeze %dma_start3A_58 : memref<1x640x128xf32, #tpu.memory_space<hbm>> -> memref<640x128xf32, #tpu.memory_space<hbm>>
      %dma_start3A_60 = arith.constant 0 : i32
      %dma_start3A_61 = tpu.memref_slice %arg6[%mul3A_54, %dma_start3A_60] : memref<10240x128xf32, #tpu.memory_space<vmem_shared>> -> memref<640x128xf32, #tpu.memory_space<vmem_shared>>
      tpu.enqueue_dma source(%dma_start3A_61 : memref<640x128xf32, #tpu.memory_space<vmem_shared>>) target(%dma_start3A_59 : memref<640x128xf32, #tpu.memory_space<hbm>>) target_semaphore(%run_scoped3A : memref<!tpu.dma_semaphore, #tpu.memory_space<semaphore_mem>>)
      %dma_wait3A_62 = arith.constant 0 : i32
      %dma_wait3A_63 = tpu.memref_slice %arg5[%arg0, %mul3A_56, %dma_wait3A_62] : memref<2x10240x128xf32, #tpu.memory_space<hbm>> -> memref<1x640x128xf32, #tpu.memory_space<hbm>>
      %dma_wait3A_64 = tpu.memref_squeeze %dma_wait3A_63 : memref<1x640x128xf32, #tpu.memory_space<hbm>> -> memref<640x128xf32, #tpu.memory_space<hbm>>
      %dma_wait3A_65 = arith.constant 0 : i32
      %dma_wait3A_66 = tpu.memref_slice %arg6[%mul3A_54, %dma_wait3A_65] : memref<10240x128xf32, #tpu.memory_space<vmem_shared>> -> memref<640x128xf32, #tpu.memory_space<vmem_shared>>
      tpu.wait_dma2 semaphore(%run_scoped3A : memref<!tpu.dma_semaphore, #tpu.memory_space<semaphore_mem>>) src(%dma_wait3A_66 : memref<640x128xf32, #tpu.memory_space<vmem_shared>>) dst(%dma_wait3A_64 : memref<640x128xf32, #tpu.memory_space<hbm>>)
      tpu.yield
    }) : () -> ()
    return
  }
}

module attributes {stable_mosaic.version = 14 : i64} {
  func.func @_tc1_body(%arg0: memref<2x10240x128xf32, #tpu.memory_space<vmem>>, %arg1: memref<10000x128xf32, #tpu.memory_space<vmem>>, %arg2: memref<10000x1xf32, #tpu.memory_space<vmem>>, %arg3: memref<10000x128xf32, #tpu.memory_space<vmem>>) attributes {dimension_semantics = [], scalar_prefetch = 0 : i64, scratch_operands = 0 : i64, tpu.core_type = #tpu.core_type<tc>} {
    %get3A = arith.constant 0 : index
    %get3A_0 = arith.constant 0 : index
    %get3A_1 = arith.constant 0 : index
    %get3A_2 = vector.load %arg0[%get3A, %get3A_0, %get3A_1] : memref<2x10240x128xf32, #tpu.memory_space<vmem>>, vector<1x10000x1xf32>
    %get3A_3 = vector.shape_cast %get3A_2 : vector<1x10000x1xf32> to vector<10000x1xf32>
    %get3A_4 = arith.constant 1 : index
    %get3A_5 = arith.constant 0 : index
    %get3A_6 = arith.constant 0 : index
    %get3A_7 = vector.load %arg0[%get3A_4, %get3A_5, %get3A_6] : memref<2x10240x128xf32, #tpu.memory_space<vmem>>, vector<1x10000x1xf32>
    %get3A_8 = vector.shape_cast %get3A_7 : vector<1x10000x1xf32> to vector<10000x1xf32>
    %add3A = arith.addf %get3A_3, %get3A_8 : vector<10000x1xf32>
    %add3A_9 = arith.constant 1.000000e+00 : f32
    %add3A_10 = vector.broadcast %add3A_9 : f32 to vector<10000x1xf32>
    %add3A_11 = arith.addf %add3A, %add3A_10 : vector<10000x1xf32>
    %rsqrt3A = math.rsqrt %add3A_11 : vector<10000x1xf32>
    %swap3A = arith.constant 0 : index
    %swap3A_12 = arith.constant 0 : index
    %swap3A_13 = vector.load %arg2[%swap3A, %swap3A_12] : memref<10000x1xf32, #tpu.memory_space<vmem>>, vector<10000x1xf32>
    tpu.vector_store %arg2[%swap3A, %swap3A_12], %rsqrt3A {strides = array<i32>} : memref<10000x1xf32, #tpu.memory_space<vmem>>, vector<10000x1xf32>,
    %get3A_14 = arith.constant 0 : index
    %get3A_15 = arith.constant 0 : index
    %get3A_16 = vector.load %arg1[%get3A_14, %get3A_15] : memref<10000x128xf32, #tpu.memory_space<vmem>>, vector<10000x128xf32>
    %mul3A = vector.broadcast %rsqrt3A : vector<10000x1xf32> to vector<10000x128xf32>
    %mul3A_17 = arith.mulf %get3A_16, %mul3A : vector<10000x128xf32>
    %swap3A_18 = arith.constant 0 : index
    %swap3A_19 = arith.constant 0 : index
    %swap3A_20 = vector.load %arg3[%swap3A_18, %swap3A_19] : memref<10000x128xf32, #tpu.memory_space<vmem>>, vector<10000x128xf32>
    tpu.vector_store %arg3[%swap3A_18, %swap3A_19], %mul3A_17 {strides = array<i32>} : memref<10000x128xf32, #tpu.memory_space<vmem>>, vector<10000x128xf32>,
    return
  }
}

module attributes {stable_mosaic.version = 14 : i64} {
  func.func @_tc2_body(%arg0: memref<2x10240x128xf32, #tpu.memory_space<vmem>>, %arg1: memref<10000x128xf32, #tpu.memory_space<vmem>>, %arg2: memref<10000x1xf32, #tpu.memory_space<vmem>>, %arg3: memref<128x256xf32, #tpu.memory_space<vmem>>, %arg4: memref<1x256xf32, #tpu.memory_space<vmem>>, %arg5: memref<1x256xf32, #tpu.memory_space<vmem>>, %arg6: memref<1x256xf32, #tpu.memory_space<vmem>>, %arg7: memref<256x128xf32, #tpu.memory_space<vmem>>, %arg8: memref<10000x128xf32, #tpu.memory_space<vmem>>) attributes {dimension_semantics = [], scalar_prefetch = 0 : i64, scratch_operands = 0 : i64, tpu.core_type = #tpu.core_type<tc>} {
    %get3A = arith.constant 0 : index
    %get3A_0 = arith.constant 0 : index
    %get3A_1 = vector.load %arg2[%get3A, %get3A_0] : memref<10000x1xf32, #tpu.memory_space<vmem>>, vector<10000x1xf32>
    %get3A_2 = arith.constant 0 : index
    %get3A_3 = arith.constant 0 : index
    %get3A_4 = arith.constant 0 : index
    %get3A_5 = vector.load %arg0[%get3A_2, %get3A_3, %get3A_4] : memref<2x10240x128xf32, #tpu.memory_space<vmem>>, vector<1x10000x128xf32>
    %get3A_6 = vector.shape_cast %get3A_5 : vector<1x10000x128xf32> to vector<10000x128xf32>
    %get3A_7 = arith.constant 1 : index
    %get3A_8 = arith.constant 0 : index
    %get3A_9 = arith.constant 0 : index
    %get3A_10 = vector.load %arg0[%get3A_7, %get3A_8, %get3A_9] : memref<2x10240x128xf32, #tpu.memory_space<vmem>>, vector<1x10000x128xf32>
    %get3A_11 = vector.shape_cast %get3A_10 : vector<1x10000x128xf32> to vector<10000x128xf32>
    %add3A = arith.addf %get3A_6, %get3A_11 : vector<10000x128xf32>
    %get3A_12 = arith.constant 0 : index
    %get3A_13 = arith.constant 0 : index
    %get3A_14 = vector.load %arg1[%get3A_12, %get3A_13] : memref<10000x128xf32, #tpu.memory_space<vmem>>, vector<10000x128xf32>
    %add3A_15 = arith.addf %add3A, %get3A_14 : vector<10000x128xf32>
    %mul3A = vector.broadcast %get3A_1 : vector<10000x1xf32> to vector<10000x128xf32>
    %mul3A_16 = arith.mulf %mul3A, %add3A_15 : vector<10000x128xf32>
    %get3A_17 = arith.constant 0 : index
    %get3A_18 = arith.constant 0 : index
    %get3A_19 = vector.load %arg3[%get3A_17, %get3A_18] : memref<128x256xf32, #tpu.memory_space<vmem>>, vector<128x256xf32>
    %dot_general3A = arith.constant dense<0.000000e+00> : vector<10000x256xf32>
    %dot_general3A_20 = tpu.matmul %mul3A_16, %get3A_19, %dot_general3A {dimension_numbers = #tpu.dot_dimension_numbers<[1], [0], [0], [1], [0, 0, 1, 1], [], []>, transpose_lhs_hint = false} : vector<10000x128xf32>, vector<128x256xf32>, vector<10000x256xf32> -> vector<10000x256xf32>
    %get3A_21 = arith.constant 0 : index
    %get3A_22 = arith.constant 0 : index
    %get3A_23 = vector.load %arg4[%get3A_21, %get3A_22] : memref<1x256xf32, #tpu.memory_space<vmem>>, vector<1x256xf32>
    %add3A_24 = vector.broadcast %get3A_23 : vector<1x256xf32> to vector<10000x256xf32>
    %add3A_25 = arith.addf %dot_general3A_20, %add3A_24 : vector<10000x256xf32>
    %reduce_sum3A = arith.constant dense<0.000000e+00> : vector<256xf32>
    %reduce_sum3A_26 = vector.multi_reduction <add>, %add3A_25, %reduce_sum3A [0] : vector<10000x256xf32> to vector<256xf32>
    %broadcast_in_dim3A = vector.shape_cast %reduce_sum3A_26 : vector<256xf32> to vector<1x256xf32>
    %div3A = arith.constant 1.000000e+04 : f32
    %div3A_27 = vector.broadcast %div3A : f32 to vector<1x256xf32>
    %div3A_28 = arith.divf %broadcast_in_dim3A, %div3A_27 : vector<1x256xf32>
    %sub3A = vector.broadcast %div3A_28 : vector<1x256xf32> to vector<10000x256xf32>
    %sub3A_29 = arith.subf %add3A_25, %sub3A : vector<10000x256xf32>
    %integer_pow3A = arith.mulf %sub3A_29, %sub3A_29 : vector<10000x256xf32>
    %reduce_sum3A_30 = arith.constant dense<0.000000e+00> : vector<256xf32>
    %reduce_sum3A_31 = vector.multi_reduction <add>, %integer_pow3A, %reduce_sum3A_30 [0] : vector<10000x256xf32> to vector<256xf32>
    %broadcast_in_dim3A_32 = vector.shape_cast %reduce_sum3A_31 : vector<256xf32> to vector<1x256xf32>
    %div3A_33 = arith.constant 1.000000e+04 : f32
    %div3A_34 = vector.broadcast %div3A_33 : f32 to vector<1x256xf32>
    %div3A_35 = arith.divf %broadcast_in_dim3A_32, %div3A_34 : vector<1x256xf32>
    %sub3A_36 = vector.broadcast %div3A_28 : vector<1x256xf32> to vector<10000x256xf32>
    %sub3A_37 = arith.subf %add3A_25, %sub3A_36 : vector<10000x256xf32>
    %add3A_38 = arith.constant 9.99999974E-6 : f32
    %add3A_39 = vector.broadcast %add3A_38 : f32 to vector<1x256xf32>
    %add3A_40 = arith.addf %div3A_35, %add3A_39 : vector<1x256xf32>
    %rsqrt3A = math.rsqrt %add3A_40 : vector<1x256xf32>
    %mul3A_41 = vector.broadcast %rsqrt3A : vector<1x256xf32> to vector<10000x256xf32>
    %mul3A_42 = arith.mulf %sub3A_37, %mul3A_41 : vector<10000x256xf32>
    %get3A_43 = arith.constant 0 : index
    %get3A_44 = arith.constant 0 : index
    %get3A_45 = vector.load %arg5[%get3A_43, %get3A_44] : memref<1x256xf32, #tpu.memory_space<vmem>>, vector<1x256xf32>
    %mul3A_46 = vector.broadcast %get3A_45 : vector<1x256xf32> to vector<10000x256xf32>
    %mul3A_47 = arith.mulf %mul3A_42, %mul3A_46 : vector<10000x256xf32>
    %get3A_48 = arith.constant 0 : index
    %get3A_49 = arith.constant 0 : index
    %get3A_50 = vector.load %arg6[%get3A_48, %get3A_49] : memref<1x256xf32, #tpu.memory_space<vmem>>, vector<1x256xf32>
    %add3A_51 = vector.broadcast %get3A_50 : vector<1x256xf32> to vector<10000x256xf32>
    %add3A_52 = arith.addf %mul3A_47, %add3A_51 : vector<10000x256xf32>
    %max3A = arith.constant 0.000000e+00 : f32
    %max3A_53 = vector.broadcast %max3A : f32 to vector<10000x256xf32>
    %max3A_54 = arith.maximumf %add3A_52, %max3A_53 : vector<10000x256xf32>
    %get3A_55 = arith.constant 0 : index
    %get3A_56 = arith.constant 0 : index
    %get3A_57 = vector.load %arg7[%get3A_55, %get3A_56] : memref<256x128xf32, #tpu.memory_space<vmem>>, vector<256x128xf32>
    %dot_general3A_58 = arith.constant dense<0.000000e+00> : vector<10000x128xf32>
    %dot_general3A_59 = tpu.matmul %max3A_54, %get3A_57, %dot_general3A_58 {dimension_numbers = #tpu.dot_dimension_numbers<[1], [0], [0], [1], [0, 0, 1, 1], [], []>, transpose_lhs_hint = false} : vector<10000x256xf32>, vector<256x128xf32>, vector<10000x128xf32> -> vector<10000x128xf32>
    %mul3A_60 = vector.broadcast %get3A_1 : vector<10000x1xf32> to vector<10000x128xf32>
    %mul3A_61 = arith.mulf %dot_general3A_59, %mul3A_60 : vector<10000x128xf32>
    %swap3A = arith.constant 0 : index
    %swap3A_62 = arith.constant 0 : index
    %swap3A_63 = vector.load %arg8[%swap3A, %swap3A_62] : memref<10000x128xf32, #tpu.memory_space<vmem>>, vector<10000x128xf32>
    tpu.vector_store %arg8[%swap3A, %swap3A_62], %mul3A_61 {strides = array<i32>} : memref<10000x128xf32, #tpu.memory_space<vmem>>, vector<10000x128xf32>,
    return
  }
}

module attributes {stable_mosaic.version = 14 : i64} {
  func.func @_tc3_body(%arg0: memref<2x10240x128xf32, #tpu.memory_space<vmem>>, %arg1: memref<10000x128xf32, #tpu.memory_space<vmem>>, %arg2: memref<10000x1xf32, #tpu.memory_space<vmem>>, %arg3: memref<1x128xf32, #tpu.memory_space<vmem>>, %arg4: memref<10000x128xf32, #tpu.memory_space<vmem>>) attributes {dimension_semantics = [], scalar_prefetch = 0 : i64, scratch_operands = 0 : i64, tpu.core_type = #tpu.core_type<tc>} {
    %get3A = arith.constant 0 : index
    %get3A_0 = arith.constant 0 : index
    %get3A_1 = vector.load %arg2[%get3A, %get3A_0] : memref<10000x1xf32, #tpu.memory_space<vmem>>, vector<10000x1xf32>
    %get3A_2 = arith.constant 0 : index
    %get3A_3 = arith.constant 0 : index
    %get3A_4 = arith.constant 0 : index
    %get3A_5 = vector.load %arg0[%get3A_2, %get3A_3, %get3A_4] : memref<2x10240x128xf32, #tpu.memory_space<vmem>>, vector<1x10000x128xf32>
    %get3A_6 = vector.shape_cast %get3A_5 : vector<1x10000x128xf32> to vector<10000x128xf32>
    %get3A_7 = arith.constant 1 : index
    %get3A_8 = arith.constant 0 : index
    %get3A_9 = arith.constant 0 : index
    %get3A_10 = vector.load %arg0[%get3A_7, %get3A_8, %get3A_9] : memref<2x10240x128xf32, #tpu.memory_space<vmem>>, vector<1x10000x128xf32>
    %get3A_11 = vector.shape_cast %get3A_10 : vector<1x10000x128xf32> to vector<10000x128xf32>
    %add3A = arith.addf %get3A_6, %get3A_11 : vector<10000x128xf32>
    %get3A_12 = arith.constant 0 : index
    %get3A_13 = arith.constant 0 : index
    %get3A_14 = vector.load %arg1[%get3A_12, %get3A_13] : memref<10000x128xf32, #tpu.memory_space<vmem>>, vector<10000x128xf32>
    %add3A_15 = arith.addf %add3A, %get3A_14 : vector<10000x128xf32>
    %mul3A = vector.broadcast %get3A_1 : vector<10000x1xf32> to vector<10000x128xf32>
    %mul3A_16 = arith.mulf %mul3A, %add3A_15 : vector<10000x128xf32>
    %get3A_17 = arith.constant 0 : index
    %get3A_18 = arith.constant 0 : index
    %get3A_19 = vector.load %arg3[%get3A_17, %get3A_18] : memref<1x128xf32, #tpu.memory_space<vmem>>, vector<1x128xf32>
    %add3A_20 = vector.broadcast %get3A_19 : vector<1x128xf32> to vector<10000x128xf32>
    %add3A_21 = arith.addf %mul3A_16, %add3A_20 : vector<10000x128xf32>
    %swap3A = arith.constant 0 : index
    %swap3A_22 = arith.constant 0 : index
    %swap3A_23 = vector.load %arg4[%swap3A, %swap3A_22] : memref<10000x128xf32, #tpu.memory_space<vmem>>, vector<10000x128xf32>
    tpu.vector_store %arg4[%swap3A, %swap3A_22], %add3A_21 {strides = array<i32>} : memref<10000x128xf32, #tpu.memory_space<vmem>>, vector<10000x128xf32>,
    return
  }
}

</mosaic_0001>

<sc_bundles>
// kernel: kernel.11.cloned.1.call-start
scs
__scs_entry_jumppad:
0x0: {  	(pc) =	sbr.rel $0x88, $3  }
0x1: {  	(tag) =	ssettag $0x0;
	lr =	simm.s32 $0x1  }
0x2: {  	[smem:$0x3F99] =	sst lr;
	_ =	strace $0xD0000000  }
0x3: {  	_ = 	snop  }
0x4: {  	_ = 	snop  }
0x5: {  	_ = 	snop  }
0x6: {  	_ = 	snop  }
0x7: {  	_ = 	snop  }
__scs_overlays_trampoline_lowered:
0x8: {  	[smem:$0x3FA8] =	sst s0  }
0x9: {  	[smem:$0x3FA9] =	sst s1  }
0xa: {  	[smem:$0x3FAA] =	sst s2  }
0xb: {  	[smem:$0x3FAB] =	sst s3  }
0xc: {  	[smem:$0x3FAC] =	sst s4  }
0xd: {  	[smem:$0x3FAD] =	sst s5  }
0xe: {  	[smem:$0x3FAE] =	sst s6  }
0xf: {  	[smem:$0x3FAF] =	sst s7  }
0x10: {  	[smem:$0x3FB0] =	sst s8  }
0x11: {  	[smem:$0x3FB1] =	sst s9;
	s0 =	simm.s32 @!p0 $0x0  }
0x12: {  	s1 =	sld [smem:$0x3F97];
	s0 =	simm.s32 @p0 $0x1  }
0x13: {  	[smem:$0x3FB2] =	sst s0;
	s0 =	simm.s32 @!p1 $0x0  }
0x14: {  	s2 =	sld [smem:$0x3F96];
	s0 =	simm.s32 @p1 $0x1  }
0x15: {  	[smem:$0x3FB3] =	sst s0;
	s0 =	simm.s32 @!p2 $0x0  }
0x16: {  	s3 =	sld [smem:$0x3FDB];
	s0 =	simm.s32 @p2 $0x1  }
0x17: {  	s4 =	simm.s32 $0x1BF5;
	[smem:$0x3FB5] =	sst s0  }
0x18: {  	s0 =	sld [smem:$0x3F98];
	_ =	swait.ge [sflag:s4], $0x0  }
0x19: {  	s7 =	sld [smem:$0x3F99]  }
0x1a: {  	s8 =	sadd.s32 $0xFFFFE003, lr  }
0x1b: {  	s9 =	sadd.s32 $0xFFFFFEF7, lr;
	s5 =	simm.s32 $0xFFFFFFFF;
	p2 =	slt.u32 s8, $0xFFFFF086  }
0x1c: {  	p1 =	slt.u32 s9, $0xF7A;
	s5 =	simm.s32 @!p2 $0x0  }
0x1d: {  	s5 =	simm.s32 @p1 $0x1;
	p0 =	seq.s32 s7, s2  }
0x1e: {  	s7 =	smul.u32 @!p0 $0xF7A, s2;
	p2 =	seq.s32 @!p0 s5, $0x0  }
0x1f: {  	s9 =	smul.u32 $0xF7A, s1;
	s8 =	simm.s32 @!p0 $0x1BF5;
	p2 =	por !p2, p0  }
0x20: {  	[sflag:s8] =	ssyncset.s32 @!p0 $0xFFFFF086;
	s6 =	sadd.s32 @!p0 s3, s7;
	s7 =	simm.s32 @!p0 $0x108  }
0x21: {  	s3 =	sadd.s32 s3, s9;
	s6 =	sadd.s32 @!p0 $0x88, s6;
	s7 =	simm.s32 @p2 $0x1082  }
0x22: {  	[simem:s7], [sflag:s8] =	dma.local @!p0 [hbm:s6], $0xF7A  }
0x23: {  	s9 =	sor.u32 $0xD0000000, s2;
	s6 =	simm.s32 $0x108;
	_ =	swait.ge @!p0 [sflag:s8], $0x0  }
0x24: {  	s3 =	sadd.s32 $0x88, s3;
	s6 =	simm.s32 @!p1 $0x1082;
	[sflag:s4] =	ssyncset.s32 $0xFFFFF086  }
0x25: {  	[simem:s6], [sflag:s4] =	dma.local [hbm:s3], $0xF7A  }
0x26: {  	[smem:$0x3F99] =	sst s1;
	(tag) =	ssettag s2;
	_ =	strace s9  }
0x27: {  	s1 =	sld [smem:$0x3FA9]  }
0x28: {  	s2 =	sld [smem:$0x3FAA]  }
0x29: {  	s4 =	sld [smem:$0x3FAC]  }
0x2a: {  	p0 =	seq.s32 s5, $0x0;
	s5 =	sld [smem:$0x3FAD]  }
0x2b: {  	s6 =	sld [smem:$0x3FAE]  }
0x2c: {  	s7 =	sld [smem:$0x3FAF]  }
0x2d: {  	s3 =	simm.s32 $0x108;
	s8 =	sld [smem:$0x3FB0]  }
0x2e: {  	s3 =	simm.s32 @!p0 $0x1082;
	s9 =	sld [smem:$0x3FB1]  }
0x2f: {  	lr =	sadd.s32 s0, s3;
	s0 =	sld [smem:$0x3FA8]  }
0x30: {  	s3 =	sld [smem:$0x3FAB]  }
0x31: {  	[smem:$0x3FB4] =	sst s10  }
0x32: {  	s10 =	sld [smem:$0x3FB2];
	_ =	sdelay $0x3  }
0x33: {  	p0 =	seq.s32 s10, $0x1;
	s10 =	sld [smem:$0x3FB4];
	_ =	sdelay $0x3  }
0x34: {  	[smem:$0x3FB4] =	sst s10  }
0x35: {  	s10 =	sld [smem:$0x3FB3];
	_ =	sdelay $0x3  }
0x36: {  	p1 =	seq.s32 s10, $0x1;
	s10 =	sld [smem:$0x3FB4];
	_ =	sdelay $0x3  }
0x37: {  	[smem:$0x3FB4] =	sst s10  }
0x38: {  	s10 =	sld [smem:$0x3FB5]  }
0x39: {  	_ = 	snop;
	(pc) =	sbr.ind lr, $3  }
0x3a: {  	_ = 	snop  }
0x3b: {  	_ = 	snop  }
0x3c: {  	p2 =	seq.s32 s10, $0x1;
	s10 =	sld [smem:$0x3FB4]  }
0x3d: {  	_ =	shalt  }
0x3e: {  	_ =	shalt  }
0x3f: {  	_ =	shalt  }
0x40: {  	_ =	shalt  }
0x41: {  	_ =	shalt  }
0x42: {  	_ =	shalt  }
0x43: {  	_ =	shalt  }
0x44: {  	_ =	shalt  }
0x45: {  	_ =	shalt  }
0x46: {  	_ =	shalt  }
0x47: {  	_ =	shalt  }
0x48: {  	_ =	shalt  }
0x49: {  	_ =	shalt  }
0x4a: {  	_ =	shalt  }
0x4b: {  	_ =	shalt  }
0x4c: {  	_ =	shalt  }
0x4d: {  	_ =	shalt  }
0x4e: {  	_ =	shalt  }
0x4f: {  	_ =	shalt  }
0x50: {  	_ =	shalt  }
0x51: {  	_ =	shalt  }
0x52: {  	_ =	shalt  }
0x53: {  	_ =	shalt  }
0x54: {  	_ =	shalt  }
0x55: {  	_ =	shalt  }
0x56: {  	_ =	shalt  }
0x57: {  	_ =	shalt  }
0x58: {  	_ =	shalt  }
0x59: {  	_ =	shalt  }
0x5a: {  	_ =	shalt  }
0x5b: {  	_ =	shalt  }
0x5c: {  	_ =	shalt  }
0x5d: {  	_ =	shalt  }
0x5e: {  	_ =	shalt  }
0x5f: {  	_ =	shalt  }
0x60: {  	_ =	shalt  }
0x61: {  	_ =	shalt  }
0x62: {  	_ =	shalt  }
0x63: {  	_ =	shalt  }
0x64: {  	_ =	shalt  }
0x65: {  	_ =	shalt  }
0x66: {  	_ =	shalt  }
0x67: {  	_ =	shalt  }
0x68: {  	_ =	shalt  }
0x69: {  	_ =	shalt  }
0x6a: {  	_ =	shalt  }
0x6b: {  	_ =	shalt  }
0x6c: {  	_ =	shalt  }
0x6d: {  	_ =	shalt  }
0x6e: {  	_ =	shalt  }
0x6f: {  	_ =	shalt  }
0x70: {  	_ =	shalt  }
0x71: {  	_ =	shalt  }
0x72: {  	_ =	shalt  }
0x73: {  	_ =	shalt  }
0x74: {  	_ =	shalt  }
0x75: {  	_ =	shalt  }
0x76: {  	_ =	shalt  }
0x77: {  	_ =	shalt  }
0x78: {  	_ =	shalt  }
0x79: {  	_ =	shalt  }
0x7a: {  	_ =	shalt  }
0x7b: {  	_ =	shalt  }
0x7c: {  	_ =	shalt  }
0x7d: {  	_ =	shalt  }
0x7e: {  	_ =	shalt  }
0x7f: {  	_ =	shalt  }
0x80: {  	_ =	shalt  }
0x81: {  	_ =	shalt  }
0x82: {  	_ =	shalt  }
0x83: {  	_ =	shalt  }
0x84: {  	_ =	shalt  }
0x85: {  	_ =	shalt  }
0x86: {  	_ =	shalt  }
0x87: {  	_ =	shalt  }
.Lfunc_end0:
.L_simem_size_0:
called_computation.1_lowered:
.L_overlay_start_0:
0x88: {  	s2 =	sld [smem:$0x3FD9]  }
0x89: {  	s3 =	sld [smem:$0x3FFE];
	_ =	sdelay $0x1  }
0x8a: {  	s1 =	srdreg.scid  }
0x8b: {  	s0 =	sand.u32 $0x1, s1  }
0x8c: {  	s17 =	sshll.u32 s0, $0xA;
	s2 =	sadd.s32 s3, s2  }
0x8d: {  	s2 =	sadd.s32 s2, s17  }
0x8e: {  	[smem:$0x3FC0] =	sst s2  }
0x8f: {  	_ = 	snop  }
0x90: {  	s2 =	sld [smem:$0x3FD0];
	(tm) =	ssettm $0x1  }
0x91: {  	s18 =	sld [smem:$0x3FFB];
	_ =	sdelay $0x3  }
0x92: {  	_ =	strace s18  }
0x93: {  	s3 =	sld [smem:$0x3FFC];
	_ =	sdelay $0x3  }
0x94: {  	_ =	strace s3  }
0x95: {  	s3 =	sld [smem:$0x3FFD];
	_ =	sdelay $0x3  }
0x96: {  	_ =	strace s3  }
0x97: {  	_ =	strace $0x8FFFFFFF  }
0x98: {  	s19 =	sld [smem:$0x3FDB];
	_ =	sdelay $0x1  }
0x99: {  	s4 =	simm.s32 $_scs_section_size  }
0x9a: {  	s5 =	simm.s32 $_size__tile_overlayer_lowered;
	s6 =	simm.s32 $_tile_overlayer_lowered  }
0x9b: {  	s22 =	simm.s32 $0x1BFF;
	s21 =	sshll.u32 s6, $0x1;
	s3 =	sadd.s32 s4, s19  }
0x9c: {  	s7 =	simm.s32 $0x0;
	s20 =	sshll.u32 s5, $0x1;
	s5 =	sadd.s32 s21, s3  }
0x9d: {  	[timem:s7], [sflag:s22] =	dma.local [hbm:s5], s20  }
0x9e: {  	_ =	swait.ge [sflag:s22], s20  }
0x9f: {  	s4 =	ssub.s32 $0x0, s20;
	[sflag:s22] =	ssyncset.done $0x0  }
0xa0: {  	[sflag:s22] =	ssyncadd.s32 s4;
	_ =	sdelay $0x1  }
0xa1: {  	s23 =	simm.s32 $0x1B8B  }
0xa2: {  	_ =	swait.ge [sflag:s23], $0x1  }
0xa3: {  	[sflag:s23] =	ssyncset.done $0x0  }
0xa4: {  	s25 =	simm.s32 $0x1B8E;
	s24 =	sld [smem:$0x3FFE];
	[sflag:s23] =	ssyncadd.s32 $0xFFFFFFFF  }
0xa5: {  	s26 =	simm.s32 $execute0_lowered;
	[smem:$0x3FD2] =	sst s25  }
0xa6: {  	s5 =	sshll.u32 s26, $0x1;
	_ =	strace $0x80000049;
	[dreg:$0x1] =	wrdreg $0xFFFFFFFF  }
0xa7: {  	s28 =	simm.s32 $_size_execute0_lowered;
	s3 =	sadd.s32 s3, s5;
	[dreg:$0x0] =	wrdreg $0x0  }
0xa8: {  	s5 =	sshll.u32 s28, $0x1;
	[dreg:$0x2] =	wrdreg s3  }
0xa9: {  	[dreg:$0x3] =	wrdreg s5  }
0xaa: {  	[dreg:$0x4] =	wrdreg $0xC0  }
0xab: {  	_ =	task [dreg:s7], $0x5FFFF  }
0xac: {  	[dreg:$0x1] =	wrdreg $0xFFFFFFFF  }
0xad: {  	[dreg:$0x0] =	wrdreg $0x60  }
0xae: {  	[dreg:$0x2] =	wrdreg s2  }
0xaf: {  	[dreg:$0x3] =	wrdreg s24  }
0xb0: {  	[dreg:$0x4] =	wrdreg $0x0  }
0xb1: {  	[dreg:$0x5] =	wrdreg $0x9  }
0xb2: {  	_ =	task.clear_ibuf [dreg:s7], $0x6FFFF;
	_ =	strace $0x90000049  }
0xb3: {  	s29 =	simm.s32 $0x9;
	_ =	strace $0x8000004B  }
0xb4: {  	_ =	swait.ge [sflag:s29], $0x1  }
0xb5: {  	[sflag:s29] =	ssyncadd.s32 $0xFFFFFFFF  }
0xb6: {  	_ =	strace $0x9000004B  }
0xb7: {  	_ =	sfence  }
0xb8: {  	s30 =	sld [smem:$0x0];
	_ =	sdelay $0x2  }
0xb9: {  	s31 =	sshll.u32 s1, $0xD;
	s1 =	sshrl.u32 s1, $0x2  }
0xba: {  	s3 =	sand.u32 $0x4000, s31;
	s1 =	sadd.s32 s1, s30  }
0xbb: {  	s0 =	sor.u32 s3, s0;
	s1 =	sshll.u32 s1, $0x11  }
0xbc: {  	s0 =	sor.u32 s1, s0  }
0xbd: {  	s0 =	sadd.s32 $0x8F2B, s0  }
0xbe: {  	[sflag:s0] =	ssyncadd.remote.s32 $0x1  }
0xbf: {  	_ =	sfence.sel $0xFFFF  }
0xc0: {  	[dreg:$0x0] =	wrdreg $0xFFFFFFFF;
	(pc) =	sbr.abs _section_cstart, $3  }
0xc1: {  	[dreg:$0x1] =	wrdreg $0xFFFFFFFF  }
0xc2: {  	_ =	task.clear_ibuf [dreg:s7], $0x2FFFF;
	_ =	strace $0x9FFFFFFF  }
0xc3: {  	(tm) =	ssettm $0x7FFFFFFF  }
tec
execute0_lowered:
.L_overlay_start_1:
0x0: {  	(tag) =	ssettag $0x1  }
0x1: {  	s1 =	rddreg [dreg:$0x0]  }
0x2: {  	s0 =	rddreg [dreg:$0x1]  }
0x3: {  	s2 =	rddreg [dreg:$0x2];
	s3 =	srdreg.scid  }
0x4: {  	s4 =	simm.s32 $0x0;
	s11 =	stileid.u32;
	s28 =	simm.s32 $0x14100  }
0x5: {  	s29 =	simm.s32 $0x16900;
	s30 =	simm.s32 $0x16980;
	s31 =	simm.s32 $0x16A00  }
0x6: {  	s3 =	sand.u32 $0x1, s3;
	[smem:$0x7FF] =	sst s4;
	s8 =	smul.u32 $0x14000, s11  }
0x7: {  	s5 =	sadd.s32 $0x2400, s0;
	s6 =	sadd.s32 $0xC200, s0;
	s12 =	smul.u32 $0x50000, s11  }
0x8: {  	s9 =	sadd.s32 $0x16000, s0;
	s10 =	sshll.u32 s11, $0x1;
	s15 =	smul.u32 $0x4E20, s11  }
0x9: {  	s14 =	sshll.u32 s11, $0x6;
	s11 =	simm.s32 $0x2;
	s7 =	smul.u32 $0x140000, s3  }
0xa: {  	_ =	strace $0x8000004A;
	[dreg:$0x4] =	wrdreg s9;
	s13 =	ssub.s32 $0x2, s3  }
0xb: {  	s16 =	sor.u32 $0x1C07, s14;
	s14 =	simm.s32 $0x6;
	s9 =	sshrl.u32 s12, $0x2  }
0xc: {  	s12 =	simm.s32 $0x5;
	[dreg:$0x6] =	wrdreg s16;
	s7 =	sadd.s32 s8, s7  }
0xd: {  	s8 =	sor.u32 s3, s10;
	s10 =	sshrl.u32 s13, $0x1;
	s3 =	smul.u32 $0x2710, s3  }
0xe: {  	s9 =	sadd.s32 s9, s2;
	s7 =	sshrl.u32 s7, $0x3;
	s8 =	smul.u32 $0x2710, s8  }
0xf: {  	[dreg:$0x5] =	wrdreg s9;
	s0 =	sadd.s32 s7, s0;
	s7 =	ssub.s32 s13, s10  }
0x10: {  	s3 =	sadd.s32 s3, s15;
	s10 =	simm.s32 $0x3;
	s13 =	simm.s32 $0x4  }
0x11: {  	s15 =	simm.s32 $0x0;
	s8 =	sshrl.u32 s8, $0x3;
	s0 =	sadd.s32 $0x18800, s0  }
0x12: {  	s23 =	sadd.s32 $0x190, s3;
	s7 =	smax.u32 s7, $0x1;
	s24 =	sadd.s32 $0x140, s3  }
0x13: {  	s26 =	sadd.s32 $0xF0, s3;
	s3 =	simm.s32 $0x19200;
	s17 =	sadd.s32 s5, s8  }
0x14: {  	s18 =	sadd.s32 $0xA, s8;
	s19 =	sadd.s32 s6, s8;
	[dreg:$0xd] =	wrdreg s0  }
0x15: {  	s8 =	sadd.s32 $0x14, s8;
	[dreg:$0xe] =	wrdreg s7;
	s0 =	sshrl.u32 s23, $0x3  }
0x16: {  	s25 =	sshrl.u32 s24, $0x3;
	[dreg:$0xf] =	wrdreg s26;
	s23 =	simm.s32 $0x7  }
0x17: {  	s24 =	simm.s32 $0x14000;
	s26 =	simm.s32 $0x50;
	[dreg:$0x7] =	wrdreg s17  }
0x18: {  	s7 =	simm.s32 $0x19280;
	[dreg:$0x8] =	wrdreg s19;
	s20 =	sadd.s32 s5, s18  }
.Ltmp0:
0x19: {  	s21 =	sadd.s32 s6, s18;
	[dreg:$0x9] =	wrdreg s20;
	(pc) =	sbr.rel .LBB2_1-.Ltmp0, $4  }
0x1a: {  	s22 =	sadd.s32 s5, s8;
	s8 =	sadd.s32 s6, s8;
	[dreg:$0xa] =	wrdreg s21  }
0x1b: {  	s18 =	sadd.s32 s0, s6;
	s19 =	sadd.s32 s0, s5;
	[dreg:$0xb] =	wrdreg s22  }
0x1c: {  	s0 =	simm.s32 $0x1;
	[dreg:$0xc] =	wrdreg s8;
	s20 =	sadd.s32 s25, s6  }
0x1d: {  	s21 =	sadd.s32 s25, s5;
	s25 =	simm.s32 $0x14080;
	s8 =	simm.s32 $0x19300  }
.LBB2_4:
0x1e: {  	_ =	swait.ge [sflag:s10], $0x2800  }
0x1f: {  	[sflag:s10] =	ssyncset.done $0x0  }
0x20: {  	[sflag:s10] =	ssyncadd.s32 $0xFFFFD800  }
0x21: {  	[spmem:s2] =	stream.indirect.scatter.add.f32 [tilespmem:s31], [sflag:$0x4], $0x80, s30, s26, $0xb8;
	[tilespmem:$0x1BB00] =	vst v63  }
0x22: {  	_ =	swait.ge [sflag:s11], $0x2800  }
0x23: {  	[sflag:s11] =	ssyncset.done $0x0  }
0x24: {  	[sflag:s11] =	ssyncadd.s32 $0xFFFFD800  }
0x25: {  	_ =	swait.ge [sflag:s13], $0x2800  }
0x26: {  	[sflag:s13] =	ssyncset.done $0x0  }
0x27: {  	[sflag:s13] =	ssyncadd.s32 $0xFFFFD800  }
0x28: {  	[bflag:$0x0] =	sbarrier.arrive $0xFFFF  }
0x29: {  	s16 =	rddreg [dreg:$0x6]  }
0x2a: {  	s9 =	rddreg [dreg:$0xd]  }
0x2b: {  	s17 =	rddreg [dreg:$0x10]  }
0x2c: {  	[hbm:s9], [sflag:s16] =	dma.local [spmem:s17], $0x2800  }
0x2d: {  	_ =	swait.ge [sflag:s23], $0x2800  }
0x2e: {  	s15 =	sadd.s32 $0x1, s15;
	s22 =	rddreg [dreg:$0xe]  }
0x2f: {  	p0 =	sne.s32 s15, s22  }
.Ltmp1:
0x30: {  	_ = 	snop;
	(pc) =	sbr.rel @!p0 .LBB2_5-.Ltmp1, $3  }
0x31: {  	_ =	sdelay $0x1  }
0x32: {  	[sflag:s23] =	ssyncset.done $0x0  }
0x33: {  	[sflag:s23] =	ssyncadd.s32 $0xFFFFD800  }
.LBB2_1:
0x34: {  	s9 =	rddreg [dreg:$0x5]  }
0x35: {  	s22 =	rddreg [dreg:$0x4];
	s17 =	sshrl.u32 s9, $0x3  }
0x36: {  	[dreg:$0x10] =	wrdreg s17  }
0x37: {  	[spmem:s17], [sflag:s16] =	dma.local [hbm:s22], $0x2800  }
0x38: {  	_ =	swait.ge [sflag:s23], $0x2800  }
0x39: {  	[sflag:s23] =	ssyncset.done $0x0  }
0x3a: {  	[sflag:s23] =	ssyncadd.s32 $0xFFFFD800  }
0x3b: {  	[bflag:$0x0] =	sbarrier.arrive $0xFFFF  }
0x3c: {  	s16 =	rddreg [dreg:$0x7]  }
0x3d: {  	[tilespmem:s24], [sflag:$0x7] =	stream.linear.gather [hbm4b:s16+s4], $0x50, $0x38;
	[tilespmem:$0x1BB00] =	vst v63  }
0x3e: {  	_ =	swait.ge [sflag:s23], $0x50  }
0x3f: {  	[sflag:s23] =	ssyncset.done $0x0  }
0x40: {  	s17 =	rddreg [dreg:$0x8];
	[sflag:s23] =	ssyncadd.s32 $0xFFFFFFB0  }
0x41: {  	[tilespmem:s25], [sflag:$0x7] =	stream.linear.gather [hbm4b:s17+s4], $0x50, $0x38;
	[tilespmem:$0x1BB00] =	vst v63  }
0x42: {  	_ =	swait.ge [sflag:s23], $0x50  }
0x43: {  	[sflag:s23] =	ssyncset.done $0x0  }
0x44: {  	[sflag:s23] =	ssyncadd.s32 $0xFFFFFFB0  }
0x45: {  	[tilespmem:s28], [sflag:$0x1] =	stream.indirect.gather [hbm4b:s1+s26], $0x80, s24, s26, $0xb8;
	[tilespmem:$0x1BB00] =	vst v63  }
0x46: {  	s22 =	rddreg [dreg:$0x9]  }
0x47: {  	[tilespmem:s29], [sflag:$0x7] =	stream.linear.gather [hbm4b:s22+s4], $0x50, $0x38;
	[tilespmem:$0x1BB00] =	vst v63  }
0x48: {  	_ =	swait.ge [sflag:s23], $0x50  }
0x49: {  	[sflag:s23] =	ssyncset.done $0x0  }
0x4a: {  	s16 =	rddreg [dreg:$0xa];
	[sflag:s23] =	ssyncadd.s32 $0xFFFFFFB0  }
0x4b: {  	[tilespmem:s30], [sflag:$0x7] =	stream.linear.gather [hbm4b:s16+s4], $0x50, $0x38;
	[tilespmem:$0x1BB00] =	vst v63  }
0x4c: {  	_ =	swait.ge [sflag:s23], $0x50  }
0x4d: {  	[sflag:s23] =	ssyncset.done $0x0  }
0x4e: {  	[sflag:s23] =	ssyncadd.s32 $0xFFFFFFB0  }
0x4f: {  	[tilespmem:s31], [sflag:$0x3] =	stream.indirect.gather [hbm4b:s1+s26], $0x80, s29, s26, $0xb8;
	[tilespmem:$0x1BB00] =	vst v63  }
0x50: {  	_ =	swait.ge [sflag:s0], $0x2800  }
0x51: {  	[sflag:s0] =	ssyncset.done $0x0  }
0x52: {  	[sflag:s0] =	ssyncadd.s32 $0xFFFFD800  }
0x53: {  	[spmem:s2] =	stream.indirect.scatter.add.f32 [tilespmem:s28], [sflag:$0x2], $0x80, s25, s26, $0xb8;
	[tilespmem:$0x1BB00] =	vst v63  }
0x54: {  	s17 =	rddreg [dreg:$0xb]  }
0x55: {  	[tilespmem:s3], [sflag:$0x7] =	stream.linear.gather [hbm4b:s17+s4], $0x50, $0x38;
	[tilespmem:$0x1BB00] =	vst v63  }
0x56: {  	_ =	swait.ge [sflag:s23], $0x50  }
0x57: {  	[sflag:s23] =	ssyncset.done $0x0  }
0x58: {  	s22 =	rddreg [dreg:$0xc];
	[sflag:s23] =	ssyncadd.s32 $0xFFFFFFB0  }
0x59: {  	[tilespmem:s7], [sflag:$0x7] =	stream.linear.gather [hbm4b:s22+s4], $0x50, $0x38;
	[tilespmem:$0x1BB00] =	vst v63  }
0x5a: {  	_ =	swait.ge [sflag:s23], $0x50  }
0x5b: {  	[sflag:s23] =	ssyncset.done $0x0  }
0x5c: {  	s17 =	simm.s32 $0x0;
	s22 =	rddreg [dreg:$0xf];
	[sflag:s23] =	ssyncadd.s32 $0xFFFFFFB0  }
0x5d: {  	[tilespmem:s8], [sflag:$0x5] =	stream.indirect.gather [hbm4b:s1+s26], $0x80, s3, s26, $0xb8;
	[tilespmem:$0x1BB00] =	vst v63  }
.LBB2_2:
0x5e: {  	_ =	swait.ge [sflag:s10], $0x2800  }
0x5f: {  	[sflag:s10] =	ssyncset.done $0x0  }
0x60: {  	[sflag:s10] =	ssyncadd.s32 $0xFFFFD800  }
0x61: {  	[spmem:s2] =	stream.indirect.scatter.add.f32 [tilespmem:s31], [sflag:$0x4], $0x80, s30, s26, $0xb8;
	[tilespmem:$0x1BB00] =	vst v63  }
0x62: {  	_ =	swait.ge [sflag:s11], $0x2800  }
0x63: {  	s9 =	sshrl.u32 s22, $0x3;
	[sflag:s11] =	ssyncset.done $0x0  }
0x64: {  	s16 =	sadd.s32 s5, s9;
	[sflag:s11] =	ssyncadd.s32 $0xFFFFD800  }
0x65: {  	[tilespmem:s24], [sflag:$0x7] =	stream.linear.gather [hbm4b:s16+s4], $0x50, $0x38;
	[tilespmem:$0x1BB00] =	vst v63  }
0x66: {  	_ =	swait.ge [sflag:s23], $0x50  }
0x67: {  	[sflag:s23] =	ssyncset.done $0x0  }
0x68: {  	s9 =	sadd.s32 s6, s9;
	[sflag:s23] =	ssyncadd.s32 $0xFFFFFFB0  }
0x69: {  	[tilespmem:s25], [sflag:$0x7] =	stream.linear.gather [hbm4b:s9+s4], $0x50, $0x38;
	[tilespmem:$0x1BB00] =	vst v63  }
0x6a: {  	_ =	swait.ge [sflag:s23], $0x50  }
0x6b: {  	[sflag:s23] =	ssyncset.done $0x0  }
0x6c: {  	[sflag:s23] =	ssyncadd.s32 $0xFFFFFFB0  }
0x6d: {  	[tilespmem:s28], [sflag:$0x1] =	stream.indirect.gather [hbm4b:s1+s26], $0x80, s24, s26, $0xb8;
	[tilespmem:$0x1BB00] =	vst v63  }
0x6e: {  	_ =	swait.ge [sflag:s12], $0x2800  }
0x6f: {  	[sflag:s12] =	ssyncset.done $0x0  }
0x70: {  	[sflag:s12] =	ssyncadd.s32 $0xFFFFD800  }
0x71: {  	[spmem:s2] =	stream.indirect.scatter.add.f32 [tilespmem:s8], [sflag:$0x6], $0x80, s7, s26, $0xb8;
	[tilespmem:$0x1BB00] =	vst v63  }
0x72: {  	_ =	swait.ge [sflag:s13], $0x2800  }
0x73: {  	[sflag:s13] =	ssyncset.done $0x0  }
0x74: {  	s16 =	sadd.s32 s17, s21;
	[sflag:s13] =	ssyncadd.s32 $0xFFFFD800  }
0x75: {  	[tilespmem:s29], [sflag:$0x7] =	stream.linear.gather [hbm4b:s16+s4], $0x50, $0x38;
	[tilespmem:$0x1BB00] =	vst v63  }
0x76: {  	_ =	swait.ge [sflag:s23], $0x50  }
0x77: {  	[sflag:s23] =	ssyncset.done $0x0  }
0x78: {  	s16 =	sadd.s32 s17, s20;
	[sflag:s23] =	ssyncadd.s32 $0xFFFFFFB0  }
0x79: {  	[tilespmem:s30], [sflag:$0x7] =	stream.linear.gather [hbm4b:s16+s4], $0x50, $0x38;
	[tilespmem:$0x1BB00] =	vst v63  }
0x7a: {  	_ =	swait.ge [sflag:s23], $0x50  }
0x7b: {  	[sflag:s23] =	ssyncset.done $0x0  }
0x7c: {  	[sflag:s23] =	ssyncadd.s32 $0xFFFFFFB0  }
0x7d: {  	[tilespmem:s31], [sflag:$0x3] =	stream.indirect.gather [hbm4b:s1+s26], $0x80, s29, s26, $0xb8;
	[tilespmem:$0x1BB00] =	vst v63  }
0x7e: {  	_ =	swait.ge [sflag:s0], $0x2800  }
0x7f: {  	p0 =	seq.s32 s17, $0x4B0;
	[sflag:s0] =	ssyncset.done $0x0  }
.Ltmp2:
0x80: {  	[sflag:s0] =	ssyncadd.s32 $0xFFFFD800;
	(pc) =	sbr.rel @p0 .LBB2_4-.Ltmp2, $4  }
0x81: {  	[spmem:s2] =	stream.indirect.scatter.add.f32 [tilespmem:s28], [sflag:$0x2], $0x80, s25, s26, $0xb8;
	[tilespmem:$0x1BB00] =	vst v63  }
0x82: {  	_ =	swait.ge [sflag:s14], $0x2800  }
0x83: {  	[sflag:s14] =	ssyncset.done $0x0  }
0x84: {  	[sflag:s14] =	ssyncadd.s32 $0xFFFFD800  }
0x85: {  	s9 =	sadd.s32 s17, s19  }
0x86: {  	[tilespmem:s3], [sflag:$0x7] =	stream.linear.gather [hbm4b:s9+s4], $0x50, $0x38;
	[tilespmem:$0x1BB00] =	vst v63  }
0x87: {  	_ =	swait.ge [sflag:s23], $0x50  }
0x88: {  	[sflag:s23] =	ssyncset.done $0x0  }
0x89: {  	s16 =	sadd.s32 s17, s18;
	[sflag:s23] =	ssyncadd.s32 $0xFFFFFFB0  }
0x8a: {  	[tilespmem:s7], [sflag:$0x7] =	stream.linear.gather [hbm4b:s16+s4], $0x50, $0x38;
	[tilespmem:$0x1BB00] =	vst v63  }
.Ltmp3:
0x8b: {  	_ = 	snop;
	(pc) =	sbr.rel .LBB2_2-.Ltmp3, $4  }
0x8c: {  	_ =	swait.ge [sflag:s23], $0x50  }
0x8d: {  	[sflag:s23] =	ssyncset.done $0x0  }
0x8e: {  	s17 =	sadd.s32 $0x1E, s17;
	s22 =	sadd.s32 $0xF0, s22;
	[sflag:s23] =	ssyncadd.s32 $0xFFFFFFB0  }
0x8f: {  	[tilespmem:s8], [sflag:$0x5] =	stream.indirect.gather [hbm4b:s1+s26], $0x80, s3, s26, $0xb8;
	[tilespmem:$0x1BB00] =	vst v63  }
.LBB2_5:
0x90: {  	_ =	sfence.sel $0x180000  }
0x91: {  	[bflag:$0x0] =	sbarrier.arrive $0xFFFF  }
0x92: {  	_ =	strace $0x9000004A  }
0x93: {  	s0 =	stileid.u32;
	[bflag:$0x2] =	sbarrier.arrive $0xFFFF  }
0x94: {  	p0 =	sne.s32 s0, $0x0;
	s0 =	rddreg [dreg:$0x3]  }
0x95: {  	s0 =	sadd.s32 @!p0 $0x100000, s0  }
0x96: {  	[sflag:s0] =	ssyncadd.tile.s32 @!p0 $0x1;
	_ =	shalt  }
.Lfunc_end2:
_tile_overlayer_lowered:
.L_overlay_start_2:
0x97: {  	(tag) =	ssettag $0x2  }
0x98: {  	s0 =	rddreg [dreg:$0x0];
	s2 =	stileid.u32  }
0x99: {  	s1 =	rddreg [dreg:$0x1];
	p0 =	sne.s32 s2, $0x0  }
0x9a: {  	s3 =	rddreg [dreg:$0x2];
	[bflag:$0x3] =	sbarrier.arrive $0xFFFF;
	s2 =	simm.s32 @!p0 $0x1C07  }
0x9b: {  	[timem:s3], [sflag:s2] =	dma.local @!p0 [hbm:s0], s1  }
0x9c: {  	s0 =	simm.s32 @!p0 $0x7  }
0x9d: {  	_ =	swait.ge @!p0 [sflag:s0], s1  }
0x9e: {  	s1 =	ssub.s32 @!p0 $0x0, s1;
	[sflag:s0] =	ssyncset.done @!p0 $0x0  }
0x9f: {  	[sflag:s0] =	ssyncadd.s32 @!p0 s1  }
0xa0: {  	[bflag:$0x3] =	sbarrier.arrive $0xFFFF  }
0xa1: {  	_ =	shalt  }

// kernel: kernel.14.cloned.1.call-start
scs
__scs_entry_jumppad:
0x0: {  	(pc) =	sbr.rel $0x88, $3  }
0x1: {  	(tag) =	ssettag $0x0;
	lr =	simm.s32 $0x1  }
0x2: {  	[smem:$0x3F99] =	sst lr;
	_ =	strace $0xD0000000  }
0x3: {  	_ = 	snop  }
0x4: {  	_ = 	snop  }
0x5: {  	_ = 	snop  }
0x6: {  	_ = 	snop  }
0x7: {  	_ = 	snop  }
__scs_overlays_trampoline_lowered:
0x8: {  	[smem:$0x3FA8] =	sst s0  }
0x9: {  	[smem:$0x3FA9] =	sst s1  }
0xa: {  	[smem:$0x3FAA] =	sst s2  }
0xb: {  	[smem:$0x3FAB] =	sst s3  }
0xc: {  	[smem:$0x3FAC] =	sst s4  }
0xd: {  	[smem:$0x3FAD] =	sst s5  }
0xe: {  	[smem:$0x3FAE] =	sst s6  }
0xf: {  	[smem:$0x3FAF] =	sst s7  }
0x10: {  	[smem:$0x3FB0] =	sst s8  }
0x11: {  	[smem:$0x3FB1] =	sst s9;
	s0 =	simm.s32 @!p0 $0x0  }
0x12: {  	s1 =	sld [smem:$0x3F97];
	s0 =	simm.s32 @p0 $0x1  }
0x13: {  	[smem:$0x3FB2] =	sst s0;
	s0 =	simm.s32 @!p1 $0x0  }
0x14: {  	s2 =	sld [smem:$0x3F96];
	s0 =	simm.s32 @p1 $0x1  }
0x15: {  	[smem:$0x3FB3] =	sst s0;
	s0 =	simm.s32 @!p2 $0x0  }
0x16: {  	s3 =	sld [smem:$0x3FDB];
	s0 =	simm.s32 @p2 $0x1  }
0x17: {  	s4 =	simm.s32 $0x1BF5;
	[smem:$0x3FB5] =	sst s0  }
0x18: {  	s0 =	sld [smem:$0x3F98];
	_ =	swait.ge [sflag:s4], $0x0  }
0x19: {  	s7 =	sld [smem:$0x3F99]  }
0x1a: {  	s8 =	sadd.s32 $0xFFFFE003, lr  }
0x1b: {  	s9 =	sadd.s32 $0xFFFFFEF7, lr;
	s5 =	simm.s32 $0xFFFFFFFF;
	p2 =	slt.u32 s8, $0xFFFFF086  }
0x1c: {  	p1 =	slt.u32 s9, $0xF7A;
	s5 =	simm.s32 @!p2 $0x0  }
0x1d: {  	s5 =	simm.s32 @p1 $0x1;
	p0 =	seq.s32 s7, s2  }
0x1e: {  	s7 =	smul.u32 @!p0 $0xF7A, s2;
	p2 =	seq.s32 @!p0 s5, $0x0  }
0x1f: {  	s9 =	smul.u32 $0xF7A, s1;
	s8 =	simm.s32 @!p0 $0x1BF5;
	p2 =	por !p2, p0  }
0x20: {  	[sflag:s8] =	ssyncset.s32 @!p0 $0xFFFFF086;
	s6 =	sadd.s32 @!p0 s3, s7;
	s7 =	simm.s32 @!p0 $0x108  }
0x21: {  	s3 =	sadd.s32 s3, s9;
	s6 =	sadd.s32 @!p0 $0x88, s6;
	s7 =	simm.s32 @p2 $0x1082  }
0x22: {  	[simem:s7], [sflag:s8] =	dma.local @!p0 [hbm:s6], $0xF7A  }
0x23: {  	s9 =	sor.u32 $0xD0000000, s2;
	s6 =	simm.s32 $0x108;
	_ =	swait.ge @!p0 [sflag:s8], $0x0  }
0x24: {  	s3 =	sadd.s32 $0x88, s3;
	s6 =	simm.s32 @!p1 $0x1082;
	[sflag:s4] =	ssyncset.s32 $0xFFFFF086  }
0x25: {  	[simem:s6], [sflag:s4] =	dma.local [hbm:s3], $0xF7A  }
0x26: {  	[smem:$0x3F99] =	sst s1;
	(tag) =	ssettag s2;
	_ =	strace s9  }
0x27: {  	s1 =	sld [smem:$0x3FA9]  }
0x28: {  	s2 =	sld [smem:$0x3FAA]  }
0x29: {  	s4 =	sld [smem:$0x3FAC]  }
0x2a: {  	p0 =	seq.s32 s5, $0x0;
	s5 =	sld [smem:$0x3FAD]  }
0x2b: {  	s6 =	sld [smem:$0x3FAE]  }
0x2c: {  	s7 =	sld [smem:$0x3FAF]  }
0x2d: {  	s3 =	simm.s32 $0x108;
	s8 =	sld [smem:$0x3FB0]  }
0x2e: {  	s3 =	simm.s32 @!p0 $0x1082;
	s9 =	sld [smem:$0x3FB1]  }
0x2f: {  	lr =	sadd.s32 s0, s3;
	s0 =	sld [smem:$0x3FA8]  }
0x30: {  	s3 =	sld [smem:$0x3FAB]  }
0x31: {  	[smem:$0x3FB4] =	sst s10  }
0x32: {  	s10 =	sld [smem:$0x3FB2];
	_ =	sdelay $0x3  }
0x33: {  	p0 =	seq.s32 s10, $0x1;
	s10 =	sld [smem:$0x3FB4];
	_ =	sdelay $0x3  }
0x34: {  	[smem:$0x3FB4] =	sst s10  }
0x35: {  	s10 =	sld [smem:$0x3FB3];
	_ =	sdelay $0x3  }
0x36: {  	p1 =	seq.s32 s10, $0x1;
	s10 =	sld [smem:$0x3FB4];
	_ =	sdelay $0x3  }
0x37: {  	[smem:$0x3FB4] =	sst s10  }
0x38: {  	s10 =	sld [smem:$0x3FB5]  }
0x39: {  	_ = 	snop;
	(pc) =	sbr.ind lr, $3  }
0x3a: {  	_ = 	snop  }
0x3b: {  	_ = 	snop  }
0x3c: {  	p2 =	seq.s32 s10, $0x1;
	s10 =	sld [smem:$0x3FB4]  }
0x3d: {  	_ =	shalt  }
0x3e: {  	_ =	shalt  }
0x3f: {  	_ =	shalt  }
0x40: {  	_ =	shalt  }
0x41: {  	_ =	shalt  }
0x42: {  	_ =	shalt  }
0x43: {  	_ =	shalt  }
0x44: {  	_ =	shalt  }
0x45: {  	_ =	shalt  }
0x46: {  	_ =	shalt  }
0x47: {  	_ =	shalt  }
0x48: {  	_ =	shalt  }
0x49: {  	_ =	shalt  }
0x4a: {  	_ =	shalt  }
0x4b: {  	_ =	shalt  }
0x4c: {  	_ =	shalt  }
0x4d: {  	_ =	shalt  }
0x4e: {  	_ =	shalt  }
0x4f: {  	_ =	shalt  }
0x50: {  	_ =	shalt  }
0x51: {  	_ =	shalt  }
0x52: {  	_ =	shalt  }
0x53: {  	_ =	shalt  }
0x54: {  	_ =	shalt  }
0x55: {  	_ =	shalt  }
0x56: {  	_ =	shalt  }
0x57: {  	_ =	shalt  }
0x58: {  	_ =	shalt  }
0x59: {  	_ =	shalt  }
0x5a: {  	_ =	shalt  }
0x5b: {  	_ =	shalt  }
0x5c: {  	_ =	shalt  }
0x5d: {  	_ =	shalt  }
0x5e: {  	_ =	shalt  }
0x5f: {  	_ =	shalt  }
0x60: {  	_ =	shalt  }
0x61: {  	_ =	shalt  }
0x62: {  	_ =	shalt  }
0x63: {  	_ =	shalt  }
0x64: {  	_ =	shalt  }
0x65: {  	_ =	shalt  }
0x66: {  	_ =	shalt  }
0x67: {  	_ =	shalt  }
0x68: {  	_ =	shalt  }
0x69: {  	_ =	shalt  }
0x6a: {  	_ =	shalt  }
0x6b: {  	_ =	shalt  }
0x6c: {  	_ =	shalt  }
0x6d: {  	_ =	shalt  }
0x6e: {  	_ =	shalt  }
0x6f: {  	_ =	shalt  }
0x70: {  	_ =	shalt  }
0x71: {  	_ =	shalt  }
0x72: {  	_ =	shalt  }
0x73: {  	_ =	shalt  }
0x74: {  	_ =	shalt  }
0x75: {  	_ =	shalt  }
0x76: {  	_ =	shalt  }
0x77: {  	_ =	shalt  }
0x78: {  	_ =	shalt  }
0x79: {  	_ =	shalt  }
0x7a: {  	_ =	shalt  }
0x7b: {  	_ =	shalt  }
0x7c: {  	_ =	shalt  }
0x7d: {  	_ =	shalt  }
0x7e: {  	_ =	shalt  }
0x7f: {  	_ =	shalt  }
0x80: {  	_ =	shalt  }
0x81: {  	_ =	shalt  }
0x82: {  	_ =	shalt  }
0x83: {  	_ =	shalt  }
0x84: {  	_ =	shalt  }
0x85: {  	_ =	shalt  }
0x86: {  	_ =	shalt  }
0x87: {  	_ =	shalt  }
.Lfunc_end0:
.L_simem_size_0:
called_computation.2_lowered:
.L_overlay_start_0:
0x88: {  	s2 =	sld [smem:$0x3FD9]  }
0x89: {  	s3 =	sld [smem:$0x3FFE];
	_ =	sdelay $0x1  }
0x8a: {  	s1 =	srdreg.scid  }
0x8b: {  	s0 =	sand.u32 $0x1, s1  }
0x8c: {  	s17 =	sshll.u32 s0, $0xA;
	s2 =	sadd.s32 s3, s2  }
0x8d: {  	s2 =	sadd.s32 s2, s17  }
0x8e: {  	[smem:$0x3FC0] =	sst s2  }
0x8f: {  	_ = 	snop  }
0x90: {  	s2 =	sld [smem:$0x3FD0];
	(tm) =	ssettm $0x1  }
0x91: {  	s18 =	sld [smem:$0x3FFB];
	_ =	sdelay $0x3  }
0x92: {  	_ =	strace s18  }
0x93: {  	s3 =	sld [smem:$0x3FFC];
	_ =	sdelay $0x3  }
0x94: {  	_ =	strace s3  }
0x95: {  	s3 =	sld [smem:$0x3FFD];
	_ =	sdelay $0x3  }
0x96: {  	_ =	strace s3  }
0x97: {  	_ =	strace $0x8FFFFFFF  }
0x98: {  	s19 =	sld [smem:$0x3FDB];
	_ =	sdelay $0x1  }
0x99: {  	s4 =	simm.s32 $_scs_section_size  }
0x9a: {  	s5 =	simm.s32 $_size__tile_overlayer_lowered;
	s6 =	simm.s32 $_tile_overlayer_lowered  }
0x9b: {  	s22 =	simm.s32 $0x1BFF;
	s21 =	sshll.u32 s6, $0x1;
	s3 =	sadd.s32 s4, s19  }
0x9c: {  	s7 =	simm.s32 $0x0;
	s20 =	sshll.u32 s5, $0x1;
	s5 =	sadd.s32 s21, s3  }
0x9d: {  	[timem:s7], [sflag:s22] =	dma.local [hbm:s5], s20  }
0x9e: {  	_ =	swait.ge [sflag:s22], s20  }
0x9f: {  	s4 =	ssub.s32 $0x0, s20;
	[sflag:s22] =	ssyncset.done $0x0  }
0xa0: {  	[sflag:s22] =	ssyncadd.s32 s4;
	_ =	sdelay $0x1  }
0xa1: {  	s23 =	simm.s32 $0x1B8B  }
0xa2: {  	_ =	swait.ge [sflag:s23], $0x1  }
0xa3: {  	[sflag:s23] =	ssyncset.done $0x0  }
0xa4: {  	s25 =	simm.s32 $0x1B8E;
	s24 =	sld [smem:$0x3FFE];
	[sflag:s23] =	ssyncadd.s32 $0xFFFFFFFF  }
0xa5: {  	s26 =	simm.s32 $execute0_lowered;
	[smem:$0x3FD2] =	sst s25  }
0xa6: {  	s5 =	sshll.u32 s26, $0x1;
	_ =	strace $0x8000004C;
	[dreg:$0x1] =	wrdreg $0xFFFFFFFF  }
0xa7: {  	s28 =	simm.s32 $_size_execute0_lowered;
	s3 =	sadd.s32 s3, s5;
	[dreg:$0x0] =	wrdreg $0x0  }
0xa8: {  	s5 =	sshll.u32 s28, $0x1;
	[dreg:$0x2] =	wrdreg s3  }
0xa9: {  	[dreg:$0x3] =	wrdreg s5  }
0xaa: {  	[dreg:$0x4] =	wrdreg $0xC0  }
0xab: {  	_ =	task [dreg:s7], $0x5FFFF  }
0xac: {  	[dreg:$0x1] =	wrdreg $0xFFFFFFFF  }
0xad: {  	[dreg:$0x0] =	wrdreg $0x60  }
0xae: {  	[dreg:$0x2] =	wrdreg s2  }
0xaf: {  	[dreg:$0x3] =	wrdreg s24  }
0xb0: {  	[dreg:$0x4] =	wrdreg $0x0  }
0xb1: {  	[dreg:$0x5] =	wrdreg $0x9  }
0xb2: {  	_ =	task.clear_ibuf [dreg:s7], $0x6FFFF;
	_ =	strace $0x9000004C  }
0xb3: {  	s29 =	simm.s32 $0x9;
	_ =	strace $0x8000004E  }
0xb4: {  	_ =	swait.ge [sflag:s29], $0x1  }
0xb5: {  	[sflag:s29] =	ssyncadd.s32 $0xFFFFFFFF  }
0xb6: {  	_ =	strace $0x9000004E  }
0xb7: {  	_ =	sfence  }
0xb8: {  	s30 =	sld [smem:$0x0];
	_ =	sdelay $0x2  }
0xb9: {  	s31 =	sshll.u32 s1, $0xD;
	s1 =	sshrl.u32 s1, $0x2  }
0xba: {  	s3 =	sand.u32 $0x4000, s31;
	s1 =	sadd.s32 s1, s30  }
0xbb: {  	s0 =	sor.u32 s3, s0;
	s1 =	sshll.u32 s1, $0x11  }
0xbc: {  	s0 =	sor.u32 s1, s0  }
0xbd: {  	s0 =	sadd.s32 $0x8F2B, s0  }
0xbe: {  	[sflag:s0] =	ssyncadd.remote.s32 $0x1  }
0xbf: {  	_ =	sfence.sel $0xFFFF  }
0xc0: {  	[dreg:$0x0] =	wrdreg $0xFFFFFFFF;
	(pc) =	sbr.abs _section_cstart, $3  }
0xc1: {  	[dreg:$0x1] =	wrdreg $0xFFFFFFFF  }
0xc2: {  	_ =	task.clear_ibuf [dreg:s7], $0x2FFFF;
	_ =	strace $0x9FFFFFFF  }
0xc3: {  	(tm) =	ssettm $0x7FFFFFFF  }
tec
execute0_lowered:
.L_overlay_start_1:
0x0: {  	(tag) =	ssettag $0x1  }
0x1: {  	s1 =	rddreg [dreg:$0x0]  }
0x2: {  	s0 =	rddreg [dreg:$0x1]  }
0x3: {  	s2 =	rddreg [dreg:$0x2];
	s3 =	srdreg.scid  }
0x4: {  	s4 =	simm.s32 $0x0;
	s11 =	stileid.u32;
	s28 =	simm.s32 $0x14100  }
0x5: {  	s29 =	simm.s32 $0x16900;
	s30 =	simm.s32 $0x16980;
	s31 =	simm.s32 $0x16A00  }
0x6: {  	s3 =	sand.u32 $0x1, s3;
	[smem:$0x7FF] =	sst s4;
	s8 =	smul.u32 $0x14000, s11  }
0x7: {  	s5 =	sadd.s32 $0x2400, s0;
	s6 =	sadd.s32 $0xC200, s0;
	s12 =	smul.u32 $0x50000, s11  }
0x8: {  	s9 =	sadd.s32 $0x16000, s0;
	s10 =	sshll.u32 s11, $0x1;
	s15 =	smul.u32 $0x4E20, s11  }
0x9: {  	s14 =	sshll.u32 s11, $0x6;
	s11 =	simm.s32 $0x2;
	s7 =	smul.u32 $0x140000, s3  }
0xa: {  	_ =	strace $0x8000004D;
	[dreg:$0x4] =	wrdreg s9;
	s13 =	ssub.s32 $0x2, s3  }
0xb: {  	s16 =	sor.u32 $0x1C07, s14;
	s14 =	simm.s32 $0x6;
	s9 =	sshrl.u32 s12, $0x2  }
0xc: {  	s12 =	simm.s32 $0x5;
	[dreg:$0x6] =	wrdreg s16;
	s7 =	sadd.s32 s8, s7  }
0xd: {  	s8 =	sor.u32 s3, s10;
	s10 =	sshrl.u32 s13, $0x1;
	s3 =	smul.u32 $0x2710, s3  }
0xe: {  	s9 =	sadd.s32 s9, s2;
	s7 =	sshrl.u32 s7, $0x3;
	s8 =	smul.u32 $0x2710, s8  }
0xf: {  	[dreg:$0x5] =	wrdreg s9;
	s0 =	sadd.s32 s7, s0;
	s7 =	ssub.s32 s13, s10  }
0x10: {  	s3 =	sadd.s32 s3, s15;
	s10 =	simm.s32 $0x3;
	s13 =	simm.s32 $0x4  }
0x11: {  	s15 =	simm.s32 $0x0;
	s8 =	sshrl.u32 s8, $0x3;
	s0 =	sadd.s32 $0x18800, s0  }
0x12: {  	s23 =	sadd.s32 $0x190, s3;
	s7 =	smax.u32 s7, $0x1;
	s24 =	sadd.s32 $0x140, s3  }
0x13: {  	s26 =	sadd.s32 $0xF0, s3;
	s3 =	simm.s32 $0x19200;
	s17 =	sadd.s32 s5, s8  }
0x14: {  	s18 =	sadd.s32 $0xA, s8;
	s19 =	sadd.s32 s6, s8;
	[dreg:$0xd] =	wrdreg s0  }
0x15: {  	s8 =	sadd.s32 $0x14, s8;
	[dreg:$0xe] =	wrdreg s7;
	s0 =	sshrl.u32 s23, $0x3  }
0x16: {  	s25 =	sshrl.u32 s24, $0x3;
	[dreg:$0xf] =	wrdreg s26;
	s23 =	simm.s32 $0x7  }
0x17: {  	s24 =	simm.s32 $0x14000;
	s26 =	simm.s32 $0x50;
	[dreg:$0x7] =	wrdreg s17  }
0x18: {  	s7 =	simm.s32 $0x19280;
	[dreg:$0x8] =	wrdreg s19;
	s20 =	sadd.s32 s5, s18  }
.Ltmp0:
0x19: {  	s21 =	sadd.s32 s6, s18;
	[dreg:$0x9] =	wrdreg s20;
	(pc) =	sbr.rel .LBB2_1-.Ltmp0, $4  }
0x1a: {  	s22 =	sadd.s32 s5, s8;
	s8 =	sadd.s32 s6, s8;
	[dreg:$0xa] =	wrdreg s21  }
0x1b: {  	s18 =	sadd.s32 s0, s6;
	s19 =	sadd.s32 s0, s5;
	[dreg:$0xb] =	wrdreg s22  }
0x1c: {  	s0 =	simm.s32 $0x1;
	[dreg:$0xc] =	wrdreg s8;
	s20 =	sadd.s32 s25, s6  }
0x1d: {  	s21 =	sadd.s32 s25, s5;
	s25 =	simm.s32 $0x14080;
	s8 =	simm.s32 $0x19300  }
.LBB2_4:
0x1e: {  	_ =	swait.ge [sflag:s10], $0x2800  }
0x1f: {  	[sflag:s10] =	ssyncset.done $0x0  }
0x20: {  	[sflag:s10] =	ssyncadd.s32 $0xFFFFD800  }
0x21: {  	[spmem:s2] =	stream.indirect.scatter.add.f32 [tilespmem:s31], [sflag:$0x4], $0x80, s30, s26, $0xb8;
	[tilespmem:$0x1BB00] =	vst v63  }
0x22: {  	_ =	swait.ge [sflag:s11], $0x2800  }
0x23: {  	[sflag:s11] =	ssyncset.done $0x0  }
0x24: {  	[sflag:s11] =	ssyncadd.s32 $0xFFFFD800  }
0x25: {  	_ =	swait.ge [sflag:s13], $0x2800  }
0x26: {  	[sflag:s13] =	ssyncset.done $0x0  }
0x27: {  	[sflag:s13] =	ssyncadd.s32 $0xFFFFD800  }
0x28: {  	[bflag:$0x0] =	sbarrier.arrive $0xFFFF  }
0x29: {  	s16 =	rddreg [dreg:$0x6]  }
0x2a: {  	s9 =	rddreg [dreg:$0xd]  }
0x2b: {  	s17 =	rddreg [dreg:$0x10]  }
0x2c: {  	[hbm:s9], [sflag:s16] =	dma.local [spmem:s17], $0x2800  }
0x2d: {  	_ =	swait.ge [sflag:s23], $0x2800  }
0x2e: {  	s15 =	sadd.s32 $0x1, s15;
	s22 =	rddreg [dreg:$0xe]  }
0x2f: {  	p0 =	sne.s32 s15, s22  }
.Ltmp1:
0x30: {  	_ = 	snop;
	(pc) =	sbr.rel @!p0 .LBB2_5-.Ltmp1, $3  }
0x31: {  	_ =	sdelay $0x1  }
0x32: {  	[sflag:s23] =	ssyncset.done $0x0  }
0x33: {  	[sflag:s23] =	ssyncadd.s32 $0xFFFFD800  }
.LBB2_1:
0x34: {  	s9 =	rddreg [dreg:$0x5]  }
0x35: {  	s22 =	rddreg [dreg:$0x4];
	s17 =	sshrl.u32 s9, $0x3  }
0x36: {  	[dreg:$0x10] =	wrdreg s17  }
0x37: {  	[spmem:s17], [sflag:s16] =	dma.local [hbm:s22], $0x2800  }
0x38: {  	_ =	swait.ge [sflag:s23], $0x2800  }
0x39: {  	[sflag:s23] =	ssyncset.done $0x0  }
0x3a: {  	[sflag:s23] =	ssyncadd.s32 $0xFFFFD800  }
0x3b: {  	[bflag:$0x0] =	sbarrier.arrive $0xFFFF  }
0x3c: {  	s16 =	rddreg [dreg:$0x7]  }
0x3d: {  	[tilespmem:s24], [sflag:$0x7] =	stream.linear.gather [hbm4b:s16+s4], $0x50, $0x38;
	[tilespmem:$0x1BB00] =	vst v63  }
0x3e: {  	_ =	swait.ge [sflag:s23], $0x50  }
0x3f: {  	[sflag:s23] =	ssyncset.done $0x0  }
0x40: {  	s17 =	rddreg [dreg:$0x8];
	[sflag:s23] =	ssyncadd.s32 $0xFFFFFFB0  }
0x41: {  	[tilespmem:s25], [sflag:$0x7] =	stream.linear.gather [hbm4b:s17+s4], $0x50, $0x38;
	[tilespmem:$0x1BB00] =	vst v63  }
0x42: {  	_ =	swait.ge [sflag:s23], $0x50  }
0x43: {  	[sflag:s23] =	ssyncset.done $0x0  }
0x44: {  	[sflag:s23] =	ssyncadd.s32 $0xFFFFFFB0  }
0x45: {  	[tilespmem:s28], [sflag:$0x1] =	stream.indirect.gather [hbm4b:s1+s26], $0x80, s24, s26, $0xb8;
	[tilespmem:$0x1BB00] =	vst v63  }
0x46: {  	s22 =	rddreg [dreg:$0x9]  }
0x47: {  	[tilespmem:s29], [sflag:$0x7] =	stream.linear.gather [hbm4b:s22+s4], $0x50, $0x38;
	[tilespmem:$0x1BB00] =	vst v63  }
0x48: {  	_ =	swait.ge [sflag:s23], $0x50  }
0x49: {  	[sflag:s23] =	ssyncset.done $0x0  }
0x4a: {  	s16 =	rddreg [dreg:$0xa];
	[sflag:s23] =	ssyncadd.s32 $0xFFFFFFB0  }
0x4b: {  	[tilespmem:s30], [sflag:$0x7] =	stream.linear.gather [hbm4b:s16+s4], $0x50, $0x38;
	[tilespmem:$0x1BB00] =	vst v63  }
0x4c: {  	_ =	swait.ge [sflag:s23], $0x50  }
0x4d: {  	[sflag:s23] =	ssyncset.done $0x0  }
0x4e: {  	[sflag:s23] =	ssyncadd.s32 $0xFFFFFFB0  }
0x4f: {  	[tilespmem:s31], [sflag:$0x3] =	stream.indirect.gather [hbm4b:s1+s26], $0x80, s29, s26, $0xb8;
	[tilespmem:$0x1BB00] =	vst v63  }
0x50: {  	_ =	swait.ge [sflag:s0], $0x2800  }
0x51: {  	[sflag:s0] =	ssyncset.done $0x0  }
0x52: {  	[sflag:s0] =	ssyncadd.s32 $0xFFFFD800  }
0x53: {  	[spmem:s2] =	stream.indirect.scatter.add.f32 [tilespmem:s28], [sflag:$0x2], $0x80, s25, s26, $0xb8;
	[tilespmem:$0x1BB00] =	vst v63  }
0x54: {  	s17 =	rddreg [dreg:$0xb]  }
0x55: {  	[tilespmem:s3], [sflag:$0x7] =	stream.linear.gather [hbm4b:s17+s4], $0x50, $0x38;
	[tilespmem:$0x1BB00] =	vst v63  }
0x56: {  	_ =	swait.ge [sflag:s23], $0x50  }
0x57: {  	[sflag:s23] =	ssyncset.done $0x0  }
0x58: {  	s22 =	rddreg [dreg:$0xc];
	[sflag:s23] =	ssyncadd.s32 $0xFFFFFFB0  }
0x59: {  	[tilespmem:s7], [sflag:$0x7] =	stream.linear.gather [hbm4b:s22+s4], $0x50, $0x38;
	[tilespmem:$0x1BB00] =	vst v63  }
0x5a: {  	_ =	swait.ge [sflag:s23], $0x50  }
0x5b: {  	[sflag:s23] =	ssyncset.done $0x0  }
0x5c: {  	s17 =	simm.s32 $0x0;
	s22 =	rddreg [dreg:$0xf];
	[sflag:s23] =	ssyncadd.s32 $0xFFFFFFB0  }
0x5d: {  	[tilespmem:s8], [sflag:$0x5] =	stream.indirect.gather [hbm4b:s1+s26], $0x80, s3, s26, $0xb8;
	[tilespmem:$0x1BB00] =	vst v63  }
.LBB2_2:
0x5e: {  	_ =	swait.ge [sflag:s10], $0x2800  }
0x5f: {  	[sflag:s10] =	ssyncset.done $0x0  }
0x60: {  	[sflag:s10] =	ssyncadd.s32 $0xFFFFD800  }
0x61: {  	[spmem:s2] =	stream.indirect.scatter.add.f32 [tilespmem:s31], [sflag:$0x4], $0x80, s30, s26, $0xb8;
	[tilespmem:$0x1BB00] =	vst v63  }
0x62: {  	_ =	swait.ge [sflag:s11], $0x2800  }
0x63: {  	s9 =	sshrl.u32 s22, $0x3;
	[sflag:s11] =	ssyncset.done $0x0  }
0x64: {  	s16 =	sadd.s32 s5, s9;
	[sflag:s11] =	ssyncadd.s32 $0xFFFFD800  }
0x65: {  	[tilespmem:s24], [sflag:$0x7] =	stream.linear.gather [hbm4b:s16+s4], $0x50, $0x38;
	[tilespmem:$0x1BB00] =	vst v63  }
0x66: {  	_ =	swait.ge [sflag:s23], $0x50  }
0x67: {  	[sflag:s23] =	ssyncset.done $0x0  }
0x68: {  	s9 =	sadd.s32 s6, s9;
	[sflag:s23] =	ssyncadd.s32 $0xFFFFFFB0  }
0x69: {  	[tilespmem:s25], [sflag:$0x7] =	stream.linear.gather [hbm4b:s9+s4], $0x50, $0x38;
	[tilespmem:$0x1BB00] =	vst v63  }
0x6a: {  	_ =	swait.ge [sflag:s23], $0x50  }
0x6b: {  	[sflag:s23] =	ssyncset.done $0x0  }
0x6c: {  	[sflag:s23] =	ssyncadd.s32 $0xFFFFFFB0  }
0x6d: {  	[tilespmem:s28], [sflag:$0x1] =	stream.indirect.gather [hbm4b:s1+s26], $0x80, s24, s26, $0xb8;
	[tilespmem:$0x1BB00] =	vst v63  }
0x6e: {  	_ =	swait.ge [sflag:s12], $0x2800  }
0x6f: {  	[sflag:s12] =	ssyncset.done $0x0  }
0x70: {  	[sflag:s12] =	ssyncadd.s32 $0xFFFFD800  }
0x71: {  	[spmem:s2] =	stream.indirect.scatter.add.f32 [tilespmem:s8], [sflag:$0x6], $0x80, s7, s26, $0xb8;
	[tilespmem:$0x1BB00] =	vst v63  }
0x72: {  	_ =	swait.ge [sflag:s13], $0x2800  }
0x73: {  	[sflag:s13] =	ssyncset.done $0x0  }
0x74: {  	s16 =	sadd.s32 s17, s21;
	[sflag:s13] =	ssyncadd.s32 $0xFFFFD800  }
0x75: {  	[tilespmem:s29], [sflag:$0x7] =	stream.linear.gather [hbm4b:s16+s4], $0x50, $0x38;
	[tilespmem:$0x1BB00] =	vst v63  }
0x76: {  	_ =	swait.ge [sflag:s23], $0x50  }
0x77: {  	[sflag:s23] =	ssyncset.done $0x0  }
0x78: {  	s16 =	sadd.s32 s17, s20;
	[sflag:s23] =	ssyncadd.s32 $0xFFFFFFB0  }
0x79: {  	[tilespmem:s30], [sflag:$0x7] =	stream.linear.gather [hbm4b:s16+s4], $0x50, $0x38;
	[tilespmem:$0x1BB00] =	vst v63  }
0x7a: {  	_ =	swait.ge [sflag:s23], $0x50  }
0x7b: {  	[sflag:s23] =	ssyncset.done $0x0  }
0x7c: {  	[sflag:s23] =	ssyncadd.s32 $0xFFFFFFB0  }
0x7d: {  	[tilespmem:s31], [sflag:$0x3] =	stream.indirect.gather [hbm4b:s1+s26], $0x80, s29, s26, $0xb8;
	[tilespmem:$0x1BB00] =	vst v63  }
0x7e: {  	_ =	swait.ge [sflag:s0], $0x2800  }
0x7f: {  	p0 =	seq.s32 s17, $0x4B0;
	[sflag:s0] =	ssyncset.done $0x0  }
.Ltmp2:
0x80: {  	[sflag:s0] =	ssyncadd.s32 $0xFFFFD800;
	(pc) =	sbr.rel @p0 .LBB2_4-.Ltmp2, $4  }
0x81: {  	[spmem:s2] =	stream.indirect.scatter.add.f32 [tilespmem:s28], [sflag:$0x2], $0x80, s25, s26, $0xb8;
	[tilespmem:$0x1BB00] =	vst v63  }
0x82: {  	_ =	swait.ge [sflag:s14], $0x2800  }
0x83: {  	[sflag:s14] =	ssyncset.done $0x0  }
0x84: {  	[sflag:s14] =	ssyncadd.s32 $0xFFFFD800  }
0x85: {  	s9 =	sadd.s32 s17, s19  }
0x86: {  	[tilespmem:s3], [sflag:$0x7] =	stream.linear.gather [hbm4b:s9+s4], $0x50, $0x38;
	[tilespmem:$0x1BB00] =	vst v63  }
0x87: {  	_ =	swait.ge [sflag:s23], $0x50  }
0x88: {  	[sflag:s23] =	ssyncset.done $0x0  }
0x89: {  	s16 =	sadd.s32 s17, s18;
	[sflag:s23] =	ssyncadd.s32 $0xFFFFFFB0  }
0x8a: {  	[tilespmem:s7], [sflag:$0x7] =	stream.linear.gather [hbm4b:s16+s4], $0x50, $0x38;
	[tilespmem:$0x1BB00] =	vst v63  }
.Ltmp3:
0x8b: {  	_ = 	snop;
	(pc) =	sbr.rel .LBB2_2-.Ltmp3, $4  }
0x8c: {  	_ =	swait.ge [sflag:s23], $0x50  }
0x8d: {  	[sflag:s23] =	ssyncset.done $0x0  }
0x8e: {  	s17 =	sadd.s32 $0x1E, s17;
	s22 =	sadd.s32 $0xF0, s22;
	[sflag:s23] =	ssyncadd.s32 $0xFFFFFFB0  }
0x8f: {  	[tilespmem:s8], [sflag:$0x5] =	stream.indirect.gather [hbm4b:s1+s26], $0x80, s3, s26, $0xb8;
	[tilespmem:$0x1BB00] =	vst v63  }
.LBB2_5:
0x90: {  	_ =	sfence.sel $0x180000  }
0x91: {  	[bflag:$0x0] =	sbarrier.arrive $0xFFFF  }
0x92: {  	_ =	strace $0x9000004D  }
0x93: {  	s0 =	stileid.u32;
	[bflag:$0x2] =	sbarrier.arrive $0xFFFF  }
0x94: {  	p0 =	sne.s32 s0, $0x0;
	s0 =	rddreg [dreg:$0x3]  }
0x95: {  	s0 =	sadd.s32 @!p0 $0x100000, s0  }
0x96: {  	[sflag:s0] =	ssyncadd.tile.s32 @!p0 $0x1;
	_ =	shalt  }
.Lfunc_end2:
_tile_overlayer_lowered:
.L_overlay_start_2:
0x97: {  	(tag) =	ssettag $0x2  }
0x98: {  	s0 =	rddreg [dreg:$0x0];
	s2 =	stileid.u32  }
0x99: {  	s1 =	rddreg [dreg:$0x1];
	p0 =	sne.s32 s2, $0x0  }
0x9a: {  	s3 =	rddreg [dreg:$0x2];
	[bflag:$0x3] =	sbarrier.arrive $0xFFFF;
	s2 =	simm.s32 @!p0 $0x1C07  }
0x9b: {  	[timem:s3], [sflag:s2] =	dma.local @!p0 [hbm:s0], s1  }
0x9c: {  	s0 =	simm.s32 @!p0 $0x7  }
0x9d: {  	_ =	swait.ge @!p0 [sflag:s0], s1  }
0x9e: {  	s1 =	ssub.s32 @!p0 $0x0, s1;
	[sflag:s0] =	ssyncset.done @!p0 $0x0  }
0x9f: {  	[sflag:s0] =	ssyncadd.s32 @!p0 s1  }
0xa0: {  	[bflag:$0x3] =	sbarrier.arrive $0xFFFF  }
0xa1: {  	_ =	shalt  }

// kernel: kernel.8.cloned.1.call-start
scs
__scs_entry_jumppad:
0x0: {  	(pc) =	sbr.rel $0x88, $3  }
0x1: {  	(tag) =	ssettag $0x0;
	lr =	simm.s32 $0x1  }
0x2: {  	[smem:$0x3F99] =	sst lr;
	_ =	strace $0xD0000000  }
0x3: {  	_ = 	snop  }
0x4: {  	_ = 	snop  }
0x5: {  	_ = 	snop  }
0x6: {  	_ = 	snop  }
0x7: {  	_ = 	snop  }
__scs_overlays_trampoline_lowered:
0x8: {  	[smem:$0x3FA8] =	sst s0  }
0x9: {  	[smem:$0x3FA9] =	sst s1  }
0xa: {  	[smem:$0x3FAA] =	sst s2  }
0xb: {  	[smem:$0x3FAB] =	sst s3  }
0xc: {  	[smem:$0x3FAC] =	sst s4  }
0xd: {  	[smem:$0x3FAD] =	sst s5  }
0xe: {  	[smem:$0x3FAE] =	sst s6  }
0xf: {  	[smem:$0x3FAF] =	sst s7  }
0x10: {  	[smem:$0x3FB0] =	sst s8  }
0x11: {  	[smem:$0x3FB1] =	sst s9;
	s0 =	simm.s32 @!p0 $0x0  }
0x12: {  	s1 =	sld [smem:$0x3F97];
	s0 =	simm.s32 @p0 $0x1  }
0x13: {  	[smem:$0x3FB2] =	sst s0;
	s0 =	simm.s32 @!p1 $0x0  }
0x14: {  	s2 =	sld [smem:$0x3F96];
	s0 =	simm.s32 @p1 $0x1  }
0x15: {  	[smem:$0x3FB3] =	sst s0;
	s0 =	simm.s32 @!p2 $0x0  }
0x16: {  	s3 =	sld [smem:$0x3FDB];
	s0 =	simm.s32 @p2 $0x1  }
0x17: {  	s4 =	simm.s32 $0x1BF5;
	[smem:$0x3FB5] =	sst s0  }
0x18: {  	s0 =	sld [smem:$0x3F98];
	_ =	swait.ge [sflag:s4], $0x0  }
0x19: {  	s7 =	sld [smem:$0x3F99]  }
0x1a: {  	s8 =	sadd.s32 $0xFFFFE003, lr  }
0x1b: {  	s9 =	sadd.s32 $0xFFFFFEF7, lr;
	s5 =	simm.s32 $0xFFFFFFFF;
	p2 =	slt.u32 s8, $0xFFFFF086  }
0x1c: {  	p1 =	slt.u32 s9, $0xF7A;
	s5 =	simm.s32 @!p2 $0x0  }
0x1d: {  	s5 =	simm.s32 @p1 $0x1;
	p0 =	seq.s32 s7, s2  }
0x1e: {  	s7 =	smul.u32 @!p0 $0xF7A, s2;
	p2 =	seq.s32 @!p0 s5, $0x0  }
0x1f: {  	s9 =	smul.u32 $0xF7A, s1;
	s8 =	simm.s32 @!p0 $0x1BF5;
	p2 =	por !p2, p0  }
0x20: {  	[sflag:s8] =	ssyncset.s32 @!p0 $0xFFFFF086;
	s6 =	sadd.s32 @!p0 s3, s7;
	s7 =	simm.s32 @!p0 $0x108  }
0x21: {  	s3 =	sadd.s32 s3, s9;
	s6 =	sadd.s32 @!p0 $0x88, s6;
	s7 =	simm.s32 @p2 $0x1082  }
0x22: {  	[simem:s7], [sflag:s8] =	dma.local @!p0 [hbm:s6], $0xF7A  }
0x23: {  	s9 =	sor.u32 $0xD0000000, s2;
	s6 =	simm.s32 $0x108;
	_ =	swait.ge @!p0 [sflag:s8], $0x0  }
0x24: {  	s3 =	sadd.s32 $0x88, s3;
	s6 =	simm.s32 @!p1 $0x1082;
	[sflag:s4] =	ssyncset.s32 $0xFFFFF086  }
0x25: {  	[simem:s6], [sflag:s4] =	dma.local [hbm:s3], $0xF7A  }
0x26: {  	[smem:$0x3F99] =	sst s1;
	(tag) =	ssettag s2;
	_ =	strace s9  }
0x27: {  	s1 =	sld [smem:$0x3FA9]  }
0x28: {  	s2 =	sld [smem:$0x3FAA]  }
0x29: {  	s4 =	sld [smem:$0x3FAC]  }
0x2a: {  	p0 =	seq.s32 s5, $0x0;
	s5 =	sld [smem:$0x3FAD]  }
0x2b: {  	s6 =	sld [smem:$0x3FAE]  }
0x2c: {  	s7 =	sld [smem:$0x3FAF]  }
0x2d: {  	s3 =	simm.s32 $0x108;
	s8 =	sld [smem:$0x3FB0]  }
0x2e: {  	s3 =	simm.s32 @!p0 $0x1082;
	s9 =	sld [smem:$0x3FB1]  }
0x2f: {  	lr =	sadd.s32 s0, s3;
	s0 =	sld [smem:$0x3FA8]  }
0x30: {  	s3 =	sld [smem:$0x3FAB]  }
0x31: {  	[smem:$0x3FB4] =	sst s10  }
0x32: {  	s10 =	sld [smem:$0x3FB2];
	_ =	sdelay $0x3  }
0x33: {  	p0 =	seq.s32 s10, $0x1;
	s10 =	sld [smem:$0x3FB4];
	_ =	sdelay $0x3  }
0x34: {  	[smem:$0x3FB4] =	sst s10  }
0x35: {  	s10 =	sld [smem:$0x3FB3];
	_ =	sdelay $0x3  }
0x36: {  	p1 =	seq.s32 s10, $0x1;
	s10 =	sld [smem:$0x3FB4];
	_ =	sdelay $0x3  }
0x37: {  	[smem:$0x3FB4] =	sst s10  }
0x38: {  	s10 =	sld [smem:$0x3FB5]  }
0x39: {  	_ = 	snop;
	(pc) =	sbr.ind lr, $3  }
0x3a: {  	_ = 	snop  }
0x3b: {  	_ = 	snop  }
0x3c: {  	p2 =	seq.s32 s10, $0x1;
	s10 =	sld [smem:$0x3FB4]  }
0x3d: {  	_ =	shalt  }
0x3e: {  	_ =	shalt  }
0x3f: {  	_ =	shalt  }
0x40: {  	_ =	shalt  }
0x41: {  	_ =	shalt  }
0x42: {  	_ =	shalt  }
0x43: {  	_ =	shalt  }
0x44: {  	_ =	shalt  }
0x45: {  	_ =	shalt  }
0x46: {  	_ =	shalt  }
0x47: {  	_ =	shalt  }
0x48: {  	_ =	shalt  }
0x49: {  	_ =	shalt  }
0x4a: {  	_ =	shalt  }
0x4b: {  	_ =	shalt  }
0x4c: {  	_ =	shalt  }
0x4d: {  	_ =	shalt  }
0x4e: {  	_ =	shalt  }
0x4f: {  	_ =	shalt  }
0x50: {  	_ =	shalt  }
0x51: {  	_ =	shalt  }
0x52: {  	_ =	shalt  }
0x53: {  	_ =	shalt  }
0x54: {  	_ =	shalt  }
0x55: {  	_ =	shalt  }
0x56: {  	_ =	shalt  }
0x57: {  	_ =	shalt  }
0x58: {  	_ =	shalt  }
0x59: {  	_ =	shalt  }
0x5a: {  	_ =	shalt  }
0x5b: {  	_ =	shalt  }
0x5c: {  	_ =	shalt  }
0x5d: {  	_ =	shalt  }
0x5e: {  	_ =	shalt  }
0x5f: {  	_ =	shalt  }
0x60: {  	_ =	shalt  }
0x61: {  	_ =	shalt  }
0x62: {  	_ =	shalt  }
0x63: {  	_ =	shalt  }
0x64: {  	_ =	shalt  }
0x65: {  	_ =	shalt  }
0x66: {  	_ =	shalt  }
0x67: {  	_ =	shalt  }
0x68: {  	_ =	shalt  }
0x69: {  	_ =	shalt  }
0x6a: {  	_ =	shalt  }
0x6b: {  	_ =	shalt  }
0x6c: {  	_ =	shalt  }
0x6d: {  	_ =	shalt  }
0x6e: {  	_ =	shalt  }
0x6f: {  	_ =	shalt  }
0x70: {  	_ =	shalt  }
0x71: {  	_ =	shalt  }
0x72: {  	_ =	shalt  }
0x73: {  	_ =	shalt  }
0x74: {  	_ =	shalt  }
0x75: {  	_ =	shalt  }
0x76: {  	_ =	shalt  }
0x77: {  	_ =	shalt  }
0x78: {  	_ =	shalt  }
0x79: {  	_ =	shalt  }
0x7a: {  	_ =	shalt  }
0x7b: {  	_ =	shalt  }
0x7c: {  	_ =	shalt  }
0x7d: {  	_ =	shalt  }
0x7e: {  	_ =	shalt  }
0x7f: {  	_ =	shalt  }
0x80: {  	_ =	shalt  }
0x81: {  	_ =	shalt  }
0x82: {  	_ =	shalt  }
0x83: {  	_ =	shalt  }
0x84: {  	_ =	shalt  }
0x85: {  	_ =	shalt  }
0x86: {  	_ =	shalt  }
0x87: {  	_ =	shalt  }
.Lfunc_end0:
.L_simem_size_0:
called_computation_lowered:
.L_overlay_start_0:
0x88: {  	s2 =	sld [smem:$0x3FD9]  }
0x89: {  	s3 =	sld [smem:$0x3FFE];
	_ =	sdelay $0x1  }
0x8a: {  	s1 =	srdreg.scid  }
0x8b: {  	s0 =	sand.u32 $0x1, s1  }
0x8c: {  	s17 =	sshll.u32 s0, $0xA;
	s2 =	sadd.s32 s3, s2  }
0x8d: {  	s2 =	sadd.s32 s2, s17  }
0x8e: {  	[smem:$0x3FC0] =	sst s2  }
0x8f: {  	_ = 	snop  }
0x90: {  	s2 =	sld [smem:$0x3FD0];
	(tm) =	ssettm $0x1  }
0x91: {  	s18 =	sld [smem:$0x3FFB];
	_ =	sdelay $0x3  }
0x92: {  	_ =	strace s18  }
0x93: {  	s3 =	sld [smem:$0x3FFC];
	_ =	sdelay $0x3  }
0x94: {  	_ =	strace s3  }
0x95: {  	s3 =	sld [smem:$0x3FFD];
	_ =	sdelay $0x3  }
0x96: {  	_ =	strace s3  }
0x97: {  	_ =	strace $0x8FFFFFFF  }
0x98: {  	s19 =	sld [smem:$0x3FDB];
	_ =	sdelay $0x1  }
0x99: {  	s4 =	simm.s32 $_scs_section_size  }
0x9a: {  	s5 =	simm.s32 $_size__tile_overlayer_lowered;
	s6 =	simm.s32 $_tile_overlayer_lowered  }
0x9b: {  	s22 =	simm.s32 $0x1BFF;
	s21 =	sshll.u32 s6, $0x1;
	s3 =	sadd.s32 s4, s19  }
0x9c: {  	s7 =	simm.s32 $0x0;
	s20 =	sshll.u32 s5, $0x1;
	s5 =	sadd.s32 s21, s3  }
0x9d: {  	[timem:s7], [sflag:s22] =	dma.local [hbm:s5], s20  }
0x9e: {  	_ =	swait.ge [sflag:s22], s20  }
0x9f: {  	s4 =	ssub.s32 $0x0, s20;
	[sflag:s22] =	ssyncset.done $0x0  }
0xa0: {  	[sflag:s22] =	ssyncadd.s32 s4;
	_ =	sdelay $0x1  }
0xa1: {  	s23 =	simm.s32 $0x1B8B  }
0xa2: {  	_ =	swait.ge [sflag:s23], $0x1  }
0xa3: {  	[sflag:s23] =	ssyncset.done $0x0  }
0xa4: {  	s25 =	simm.s32 $0x1B8E;
	s24 =	sld [smem:$0x3FFE];
	[sflag:s23] =	ssyncadd.s32 $0xFFFFFFFF  }
0xa5: {  	s26 =	simm.s32 $execute0_lowered;
	[smem:$0x3FD2] =	sst s25  }
0xa6: {  	s5 =	sshll.u32 s26, $0x1;
	_ =	strace $0x80000046;
	[dreg:$0x1] =	wrdreg $0xFFFFFFFF  }
0xa7: {  	s28 =	simm.s32 $_size_execute0_lowered;
	s3 =	sadd.s32 s3, s5;
	[dreg:$0x0] =	wrdreg $0x0  }
0xa8: {  	s5 =	sshll.u32 s28, $0x1;
	[dreg:$0x2] =	wrdreg s3  }
0xa9: {  	[dreg:$0x3] =	wrdreg s5  }
0xaa: {  	[dreg:$0x4] =	wrdreg $0xC0  }
0xab: {  	_ =	task [dreg:s7], $0x5FFFF  }
0xac: {  	[dreg:$0x1] =	wrdreg $0xFFFFFFFF  }
0xad: {  	[dreg:$0x0] =	wrdreg $0x60  }
0xae: {  	[dreg:$0x2] =	wrdreg s24  }
0xaf: {  	[dreg:$0x3] =	wrdreg s2  }
0xb0: {  	[dreg:$0x4] =	wrdreg $0x0  }
0xb1: {  	[dreg:$0x5] =	wrdreg $0x9  }
0xb2: {  	_ =	task.clear_ibuf [dreg:s7], $0x6FFFF;
	_ =	strace $0x90000046  }
0xb3: {  	s29 =	simm.s32 $0x9;
	_ =	strace $0x80000048  }
0xb4: {  	_ =	swait.ge [sflag:s29], $0x1  }
0xb5: {  	[sflag:s29] =	ssyncadd.s32 $0xFFFFFFFF  }
0xb6: {  	_ =	strace $0x90000048  }
0xb7: {  	_ =	sfence  }
0xb8: {  	s30 =	sld [smem:$0x0];
	_ =	sdelay $0x2  }
0xb9: {  	s31 =	sshll.u32 s1, $0xD;
	s1 =	sshrl.u32 s1, $0x2  }
0xba: {  	s3 =	sand.u32 $0x4000, s31;
	s1 =	sadd.s32 s1, s30  }
0xbb: {  	s0 =	sor.u32 s3, s0;
	s1 =	sshll.u32 s1, $0x11  }
0xbc: {  	s0 =	sor.u32 s1, s0  }
0xbd: {  	s0 =	sadd.s32 $0x8F2B, s0  }
0xbe: {  	[sflag:s0] =	ssyncadd.remote.s32 $0x1  }
0xbf: {  	_ =	sfence.sel $0xFFFF  }
0xc0: {  	[dreg:$0x0] =	wrdreg $0xFFFFFFFF;
	(pc) =	sbr.abs _section_cstart, $3  }
0xc1: {  	[dreg:$0x1] =	wrdreg $0xFFFFFFFF  }
0xc2: {  	_ =	task.clear_ibuf [dreg:s7], $0x2FFFF;
	_ =	strace $0x9FFFFFFF  }
0xc3: {  	(tm) =	ssettm $0x7FFFFFFF  }
tec
execute0_lowered:
.L_overlay_start_1:
0x0: {  	(tag) =	ssettag $0x1  }
0x1: {  	s0 =	rddreg [dreg:$0x0]  }
0x2: {  	s2 =	rddreg [dreg:$0x2];
	s1 =	srdreg.scid;
	s4 =	simm.s32 $0x0  }
0x3: {  	s18 =	stileid.u32;
	s28 =	simm.s32 $0x1;
	s29 =	simm.s32 $0x6  }
0x4: {  	s30 =	simm.s32 $0x2;
	s31 =	simm.s32 $0x3;
	s1 =	sand.u32 $0x1, s1  }
0x5: {  	[smem:$0x7FF] =	sst s4;
	s6 =	smul.u32 $0x14000, s18;
	s7 =	sshll.u32 s18, $0x1  }
0x6: {  	s5 =	sadd.s32 $0xC200, s0;
	s9 =	smul.u32 $0x50000, s18;
	s10 =	sadd.s32 $0x16000, s0  }
0x7: {  	s13 =	smul.u32 $0x4E20, s18;
	s26 =	sshll.u32 s18, $0x6;
	s18 =	simm.s32 $0x14200  }
0x8: {  	s3 =	smul.u32 $0x140000, s1;
	_ =	strace $0x80000047;
	s7 =	sor.u32 s1, s7  }
0x9: {  	s15 =	ssub.s32 $0x2, s1;
	[dreg:$0x4] =	wrdreg s10;
	s1 =	smul.u32 $0x2710, s1  }
0xa: {  	s7 =	smul.u32 $0x2710, s7;
	s8 =	sshrl.u32 s15, $0x1;
	s19 =	sshrl.u32 s9, $0x2  }
0xb: {  	s3 =	sadd.s32 s6, s3;
	s16 =	ssub.s32 s15, s8;
	s17 =	sadd.s32 s19, s2  }
0xc: {  	s22 =	sadd.s32 s1, s13;
	s19 =	simm.s32 $0x5;
	s3 =	sshrl.u32 s3, $0x3  }
0xd: {  	s7 =	sshrl.u32 s7, $0x3;
	s13 =	smax.u32 s16, $0x1;
	s1 =	sadd.s32 $0x230, s22  }
0xe: {  	s23 =	sadd.s32 $0x1E0, s22;
	s24 =	sadd.s32 $0x190, s22;
	s6 =	sadd.s32 $0x140, s22  }
0xf: {  	s22 =	simm.s32 $0x14000;
	s0 =	sadd.s32 s3, s0;
	s7 =	sadd.s32 s5, s7  }
0x10: {  	s1 =	sshrl.u32 s1, $0x3;
	s3 =	sshrl.u32 s23, $0x3;
	s25 =	sshrl.u32 s24, $0x3  }
0x11: {  	s23 =	simm.s32 $0x14080;
	s24 =	simm.s32 $0x50;
	s20 =	sadd.s32 $0xA, s7  }
0x12: {  	s21 =	sadd.s32 $0x14, s7;
	s10 =	sadd.s32 $0x1E, s7;
	s11 =	sadd.s32 $0x4D8, s7  }
0x13: {  	s12 =	sadd.s32 $0x18800, s0;
	s14 =	sadd.s32 s1, s5;
	s15 =	sadd.s32 s3, s5  }
0x14: {  	s16 =	sadd.s32 s25, s5;
	s25 =	simm.s32 $0x14100;
	[dreg:$0x5] =	wrdreg s20  }
0x15: {  	s0 =	simm.s32 $0x4;
	s3 =	simm.s32 $0x0;
	[dreg:$0x6] =	wrdreg s21  }
0x16: {  	s20 =	sor.u32 $0x1C05, s26;
	s21 =	sshrl.u32 s17, $0x3;
	s26 =	simm.s32 $0x14180  }
.LBB2_1:
0x17: {  	s1 =	rddreg [dreg:$0x1]  }
0x18: {  	[tilespmem:s18], [sflag:$0x5] =	stream.linear.gather [hbm4b:s1+s4], $0x2800, $0x38;
	[tilespmem:$0x16A00] =	vst v63  }
0x19: {  	_ =	swait.ge [sflag:s19], $0x2800  }
0x1a: {  	[sflag:s19] =	ssyncset.done $0x0  }
0x1b: {  	s17 =	rddreg [dreg:$0x4];
	[sflag:s19] =	ssyncadd.s32 $0xFFFFD800  }
0x1c: {  	[spmem:s21], [sflag:s20] =	dma.local [hbm:s17], $0x2800  }
0x1d: {  	_ =	swait.ge [sflag:s19], $0x2800  }
0x1e: {  	[sflag:s19] =	ssyncset.done $0x0  }
0x1f: {  	[sflag:s19] =	ssyncadd.s32 $0xFFFFD800  }
0x20: {  	[bflag:$0x0] =	sbarrier.arrive $0xFFFF  }
0x21: {  	[tilespmem:s22], [sflag:$0x5] =	stream.linear.gather [hbm4b:s7+s4], $0x50, $0x38;
	[tilespmem:$0x16A00] =	vst v63  }
0x22: {  	_ =	swait.ge [sflag:s19], $0x50  }
0x23: {  	[sflag:s19] =	ssyncset.done $0x0  }
0x24: {  	s8 =	rddreg [dreg:$0x5];
	[sflag:s19] =	ssyncadd.s32 $0xFFFFFFB0  }
0x25: {  	[tilespmem:s23], [sflag:$0x5] =	stream.linear.gather [hbm4b:s8+s4], $0x50, $0x38;
	[tilespmem:$0x16A00] =	vst v63  }
0x26: {  	_ =	swait.ge [sflag:s19], $0x50  }
0x27: {  	[sflag:s19] =	ssyncset.done $0x0  }
0x28: {  	[sflag:s19] =	ssyncadd.s32 $0xFFFFFFB0  }
0x29: {  	[spmem:s2] =	stream.indirect.scatter.add.f32 [tilespmem:s18], [sflag:$0x1], $0x80, s22, s24, $0xb8;
	[tilespmem:$0x16A00] =	vst v63  }
0x2a: {  	s9 =	rddreg [dreg:$0x6]  }
0x2b: {  	[tilespmem:s25], [sflag:$0x5] =	stream.linear.gather [hbm4b:s9+s4], $0x50, $0x38;
	[tilespmem:$0x16A00] =	vst v63  }
0x2c: {  	_ =	swait.ge [sflag:s19], $0x50  }
0x2d: {  	[sflag:s19] =	ssyncset.done $0x0  }
0x2e: {  	[sflag:s19] =	ssyncadd.s32 $0xFFFFFFB0  }
0x2f: {  	[spmem:s2] =	stream.indirect.scatter.add.f32 [tilespmem:s18], [sflag:$0x2], $0x80, s23, s24, $0xb8;
	[tilespmem:$0x16A00] =	vst v63  }
0x30: {  	_ = 	snop  }
0x31: {  	[tilespmem:s26], [sflag:$0x5] =	stream.linear.gather [hbm4b:s10+s4], $0x50, $0x38;
	[tilespmem:$0x16A00] =	vst v63  }
0x32: {  	_ =	swait.ge [sflag:s19], $0x50  }
0x33: {  	[sflag:s19] =	ssyncset.done $0x0  }
0x34: {  	[sflag:s19] =	ssyncadd.s32 $0xFFFFFFB0  }
0x35: {  	[spmem:s2] =	stream.indirect.scatter.add.f32 [tilespmem:s18], [sflag:$0x3], $0x80, s25, s24, $0xb8;
	[tilespmem:$0x16A00] =	vst v63  }
0x36: {  	_ =	swait.ge [sflag:s28], $0x2800  }
0x37: {  	s17 =	sshrl.u32 s6, $0x3;
	[sflag:s28] =	ssyncset.done $0x0  }
0x38: {  	s1 =	sadd.s32 s5, s17;
	[sflag:s28] =	ssyncadd.s32 $0xFFFFD800  }
0x39: {  	[tilespmem:s22], [sflag:$0x6] =	stream.linear.gather [hbm4b:s1+s4], $0x50, $0x38;
	[tilespmem:$0x16A00] =	vst v63  }
0x3a: {  	_ =	swait.ge [sflag:s29], $0x50  }
0x3b: {  	[sflag:s29] =	ssyncset.done $0x0  }
0x3c: {  	[sflag:s29] =	ssyncadd.s32 $0xFFFFFFB0  }
0x3d: {  	[spmem:s2] =	stream.indirect.scatter.add.f32 [tilespmem:s18], [sflag:$0x4], $0x80, s26, s24, $0xb8;
	[tilespmem:$0x16A00] =	vst v63  }
0x3e: {  	_ =	swait.ge [sflag:s30], $0x2800  }
0x3f: {  	[sflag:s30] =	ssyncset.done $0x0  }
0x40: {  	s8 =	sadd.s32 $0x0, s16;
	[sflag:s30] =	ssyncadd.s32 $0xFFFFD800  }
0x41: {  	[tilespmem:s23], [sflag:$0x6] =	stream.linear.gather [hbm4b:s8+s4], $0x50, $0x38;
	[tilespmem:$0x16A00] =	vst v63  }
0x42: {  	_ =	swait.ge [sflag:s29], $0x50  }
0x43: {  	[sflag:s29] =	ssyncset.done $0x0  }
0x44: {  	[sflag:s29] =	ssyncadd.s32 $0xFFFFFFB0  }
0x45: {  	[spmem:s2] =	stream.indirect.scatter.add.f32 [tilespmem:s18], [sflag:$0x1], $0x80, s22, s24, $0xb8;
	[tilespmem:$0x16A00] =	vst v63  }
0x46: {  	_ =	swait.ge [sflag:s31], $0x2800  }
0x47: {  	[sflag:s31] =	ssyncset.done $0x0  }
0x48: {  	s9 =	sadd.s32 $0x0, s15;
	[sflag:s31] =	ssyncadd.s32 $0xFFFFD800  }
0x49: {  	[tilespmem:s25], [sflag:$0x6] =	stream.linear.gather [hbm4b:s9+s4], $0x50, $0x38;
	[tilespmem:$0x16A00] =	vst v63  }
0x4a: {  	_ =	swait.ge [sflag:s29], $0x50  }
0x4b: {  	[sflag:s29] =	ssyncset.done $0x0  }
0x4c: {  	[sflag:s29] =	ssyncadd.s32 $0xFFFFFFB0  }
0x4d: {  	[spmem:s2] =	stream.indirect.scatter.add.f32 [tilespmem:s18], [sflag:$0x2], $0x80, s23, s24, $0xb8;
	[tilespmem:$0x16A00] =	vst v63  }
0x4e: {  	_ =	swait.ge [sflag:s0], $0x2800  }
0x4f: {  	[sflag:s0] =	ssyncset.done $0x0  }
0x50: {  	s17 =	sadd.s32 $0x0, s14;
	[sflag:s0] =	ssyncadd.s32 $0xFFFFD800  }
0x51: {  	[tilespmem:s26], [sflag:$0x5] =	stream.linear.gather [hbm4b:s17+s4], $0x50, $0x38;
	[tilespmem:$0x16A00] =	vst v63  }
0x52: {  	_ =	swait.ge [sflag:s19], $0x50  }
0x53: {  	s1 =	simm.s32 $0x28;
	s17 =	smov.u32 s6;
	[sflag:s19] =	ssyncset.done $0x0  }
.LBB2_2:
0x54: {  	p0 =	sne.s32 s1, $0x488;
	[sflag:s19] =	ssyncadd.s32 $0xFFFFFFB0;
	s17 =	sadd.s32 $0x140, s17  }
0x55: {  	[spmem:s2] =	stream.indirect.scatter.add.f32 [tilespmem:s18], [sflag:$0x3], $0x80, s25, s24, $0xb8;
	[tilespmem:$0x16A00] =	vst v63  }
0x56: {  	s8 =	smov.u32 s1;
	s1 =	sadd.s32 $0x28, s1;
	_ =	swait.ge [sflag:s28], $0x2800  }
0x57: {  	s9 =	sshrl.u32 s17, $0x3;
	[sflag:s28] =	ssyncset.done $0x0  }
0x58: {  	s9 =	sadd.s32 s5, s9;
	[sflag:s28] =	ssyncadd.s32 $0xFFFFD800  }
0x59: {  	[tilespmem:s22], [sflag:$0x6] =	stream.linear.gather [hbm4b:s9+s4], $0x50, $0x38;
	[tilespmem:$0x16A00] =	vst v63  }
0x5a: {  	_ =	swait.ge [sflag:s29], $0x50  }
0x5b: {  	[sflag:s29] =	ssyncset.done $0x0  }
0x5c: {  	[sflag:s29] =	ssyncadd.s32 $0xFFFFFFB0  }
0x5d: {  	[spmem:s2] =	stream.indirect.scatter.add.f32 [tilespmem:s18], [sflag:$0x4], $0x80, s26, s24, $0xb8;
	[tilespmem:$0x16A00] =	vst v63  }
0x5e: {  	_ =	swait.ge [sflag:s30], $0x2800  }
0x5f: {  	[sflag:s30] =	ssyncset.done $0x0  }
0x60: {  	s9 =	sadd.s32 s8, s16;
	[sflag:s30] =	ssyncadd.s32 $0xFFFFD800  }
0x61: {  	[tilespmem:s23], [sflag:$0x6] =	stream.linear.gather [hbm4b:s9+s4], $0x50, $0x38;
	[tilespmem:$0x16A00] =	vst v63  }
0x62: {  	_ =	swait.ge [sflag:s29], $0x50  }
0x63: {  	[sflag:s29] =	ssyncset.done $0x0  }
0x64: {  	[sflag:s29] =	ssyncadd.s32 $0xFFFFFFB0  }
0x65: {  	[spmem:s2] =	stream.indirect.scatter.add.f32 [tilespmem:s18], [sflag:$0x1], $0x80, s22, s24, $0xb8;
	[tilespmem:$0x16A00] =	vst v63  }
0x66: {  	_ =	swait.ge [sflag:s31], $0x2800  }
0x67: {  	[sflag:s31] =	ssyncset.done $0x0  }
0x68: {  	s9 =	sadd.s32 s8, s15;
	[sflag:s31] =	ssyncadd.s32 $0xFFFFD800  }
0x69: {  	[tilespmem:s25], [sflag:$0x6] =	stream.linear.gather [hbm4b:s9+s4], $0x50, $0x38;
	[tilespmem:$0x16A00] =	vst v63  }
0x6a: {  	_ =	swait.ge [sflag:s29], $0x50  }
0x6b: {  	[sflag:s29] =	ssyncset.done $0x0  }
0x6c: {  	[sflag:s29] =	ssyncadd.s32 $0xFFFFFFB0  }
0x6d: {  	[spmem:s2] =	stream.indirect.scatter.add.f32 [tilespmem:s18], [sflag:$0x2], $0x80, s23, s24, $0xb8;
	[tilespmem:$0x16A00] =	vst v63  }
0x6e: {  	_ =	swait.ge [sflag:s0], $0x2800  }
.Ltmp0:
0x6f: {  	[sflag:s0] =	ssyncset.done $0x0;
	(pc) =	sbr.rel @p0 .LBB2_2-.Ltmp0, $4  }
0x70: {  	s8 =	sadd.s32 s8, s14;
	[sflag:s0] =	ssyncadd.s32 $0xFFFFD800  }
0x71: {  	[tilespmem:s26], [sflag:$0x5] =	stream.linear.gather [hbm4b:s8+s4], $0x50, $0x38;
	[tilespmem:$0x16A00] =	vst v63  }
0x72: {  	_ =	swait.ge [sflag:s19], $0x50  }
0x73: {  	[sflag:s19] =	ssyncset.done $0x0  }
0x74: {  	[sflag:s19] =	ssyncadd.s32 $0xFFFFFFB0  }
0x75: {  	[spmem:s2] =	stream.indirect.scatter.add.f32 [tilespmem:s18], [sflag:$0x3], $0x80, s25, s24, $0xb8;
	[tilespmem:$0x16A00] =	vst v63  }
0x76: {  	_ =	swait.ge [sflag:s28], $0x2800  }
0x77: {  	[sflag:s28] =	ssyncset.done $0x0  }
0x78: {  	[sflag:s28] =	ssyncadd.s32 $0xFFFFD800  }
0x79: {  	[tilespmem:s22], [sflag:$0x5] =	stream.linear.gather [hbm4b:s11+s4], $0x50, $0x38;
	[tilespmem:$0x16A00] =	vst v63  }
0x7a: {  	_ =	swait.ge [sflag:s19], $0x50  }
0x7b: {  	[sflag:s19] =	ssyncset.done $0x0  }
0x7c: {  	[sflag:s19] =	ssyncadd.s32 $0xFFFFFFB0  }
0x7d: {  	[spmem:s2] =	stream.indirect.scatter.add.f32 [tilespmem:s18], [sflag:$0x4], $0x80, s26, s24, $0xb8;
	[tilespmem:$0x16A00] =	vst v63  }
0x7e: {  	_ =	swait.ge [sflag:s30], $0x2800  }
0x7f: {  	[sflag:s30] =	ssyncset.done $0x0  }
0x80: {  	[sflag:s30] =	ssyncadd.s32 $0xFFFFD800  }
0x81: {  	[spmem:s2] =	stream.indirect.scatter.add.f32 [tilespmem:s18], [sflag:$0x1], $0x80, s22, s24, $0xb8;
	[tilespmem:$0x16A00] =	vst v63  }
0x82: {  	_ =	swait.ge [sflag:s31], $0x2800  }
0x83: {  	[sflag:s31] =	ssyncset.done $0x0  }
0x84: {  	[sflag:s31] =	ssyncadd.s32 $0xFFFFD800  }
0x85: {  	_ =	swait.ge [sflag:s0], $0x2800  }
0x86: {  	[sflag:s0] =	ssyncset.done $0x0  }
0x87: {  	[sflag:s0] =	ssyncadd.s32 $0xFFFFD800  }
0x88: {  	_ =	swait.ge [sflag:s28], $0x2800  }
0x89: {  	s3 =	sadd.s32 $0x1, s3;
	[sflag:s28] =	ssyncset.done $0x0  }
0x8a: {  	p0 =	sne.s32 s3, s13;
	[sflag:s28] =	ssyncadd.s32 $0xFFFFD800  }
.Ltmp1:
0x8b: {  	[bflag:$0x0] =	sbarrier.arrive $0xFFFF;
	(pc) =	sbr.rel @p0 .LBB2_1-.Ltmp1, $4  }
0x8c: {  	[hbm:s12], [sflag:s20] =	dma.local [spmem:s21], $0x2800  }
0x8d: {  	_ =	swait.ge [sflag:s19], $0x2800  }
0x8e: {  	[sflag:s19] =	ssyncset.done $0x0  }
0x8f: {  	[sflag:s19] =	ssyncadd.s32 $0xFFFFD800  }
0x90: {  	_ =	sfence.sel $0x180000  }
0x91: {  	[bflag:$0x0] =	sbarrier.arrive $0xFFFF  }
0x92: {  	_ =	strace $0x90000047  }
0x93: {  	s0 =	stileid.u32;
	[bflag:$0x2] =	sbarrier.arrive $0xFFFF  }
0x94: {  	p0 =	sne.s32 s0, $0x0;
	s0 =	rddreg [dreg:$0x3]  }
0x95: {  	s0 =	sadd.s32 @!p0 $0x100000, s0  }
0x96: {  	[sflag:s0] =	ssyncadd.tile.s32 @!p0 $0x1;
	_ =	shalt  }
.Lfunc_end2:
_tile_overlayer_lowered:
.L_overlay_start_2:
0x97: {  	(tag) =	ssettag $0x2  }
0x98: {  	s0 =	rddreg [dreg:$0x0];
	s2 =	stileid.u32  }
0x99: {  	s1 =	rddreg [dreg:$0x1];
	p0 =	sne.s32 s2, $0x0  }
0x9a: {  	s3 =	rddreg [dreg:$0x2];
	[bflag:$0x3] =	sbarrier.arrive $0xFFFF;
	s2 =	simm.s32 @!p0 $0x1C05  }
0x9b: {  	[timem:s3], [sflag:s2] =	dma.local @!p0 [hbm:s0], s1  }
0x9c: {  	s0 =	simm.s32 @!p0 $0x5  }
0x9d: {  	_ =	swait.ge @!p0 [sflag:s0], s1  }
0x9e: {  	s1 =	ssub.s32 @!p0 $0x0, s1;
	[sflag:s0] =	ssyncset.done @!p0 $0x0  }
0x9f: {  	[sflag:s0] =	ssyncadd.s32 @!p0 s1  }
0xa0: {  	[bflag:$0x3] =	sbarrier.arrive $0xFFFF  }
0xa1: {  	_ =	shalt  }

</sc_bundles>
